<compile_context>
chip_gen: v7x
topology: tpu7x:2x2x1
jax: 0.10.2.dev20260603
libtpu: 0.0.44.dev20260713+nightly
codegen_flags: <defaults>
</compile_context>

<pallas_src>
import functools

import jax
import jax.numpy as jnp
from jax import lax
from jax.experimental import pallas as pl
from jax.experimental.pallas import tpu as pltpu
from jax.experimental.pallas import tpu_sc as plsc

VOCAB = 100000
D_MODEL = 128
BATCH = 4096
SEQ = 200

NC, NS = 2, 16
NW = NC * NS
N_ROWS = BATCH * SEQ
PER_W = N_ROWS // NW
CHUNK = 128
N_CHUNKS = PER_W // CHUNK
RING = 4
LEAD = RING // 2
N_GROUPS = N_CHUNKS // RING


@functools.partial(
    pl.kernel,
    out_type=jax.ShapeDtypeStruct((N_ROWS, D_MODEL), jnp.float32),
    mesh=plsc.VectorSubcoreMesh(core_axis_name="c", subcore_axis_name="s"),
    scratch_types=[
        pltpu.VMEM((N_CHUNKS, CHUNK), jnp.int32),
        pltpu.VMEM((RING, CHUNK, D_MODEL), jnp.float32),
        pltpu.SemaphoreType.DMA((RING,)),
        pltpu.SemaphoreType.DMA((RING,)),
    ],
)
def _sc_gather(idx_hbm, table_hbm, out_hbm, idx_v, bufs, gsem, ssem):
    wid = lax.axis_index("s") * NC + lax.axis_index("c")
    row_base = wid * PER_W

    pltpu.sync_copy(idx_hbm.at[pl.ds(wid * N_CHUNKS, N_CHUNKS)], idx_v)

    def gather(c, j):
        return pltpu.make_async_copy(
            table_hbm.at[idx_v.at[c]], bufs.at[j], gsem.at[j])

    def store(c, j):
        return pltpu.make_async_copy(
            bufs.at[j], out_hbm.at[pl.ds(row_base + c * CHUNK, CHUNK)],
            ssem.at[j])

    def slot(t, j, first_group):
        c = t * RING + j
        jj = (j + LEAD) % RING
        if not (first_group and j < LEAD):
            store(c - LEAD, jj).wait()
        gather(lax.rem(c + LEAD, N_CHUNKS), jj).start()
        gather(c, j).wait()
        store(c, j).start()

    for j in range(LEAD):
        gather(j, j).start()
    for j in range(RING):
        slot(0, j, first_group=True)

    def body(t, carry):
        for j in range(RING):
            slot(t, j, first_group=False)
        return carry

    lax.fori_loop(1, N_GROUPS, body, 0)

    for i in range(LEAD):
        store(N_CHUNKS - LEAD + i, LEAD + i).wait()
        gather(i, i).wait()


def kernel(x, table):
    idx = x.astype(jnp.int32).reshape(NW * N_CHUNKS, CHUNK)
    out = _sc_gather(idx, table)
    return out.reshape(BATCH, SEQ, D_MODEL)

# --- scband reference (transcript-rebuilt; emitter-appended) ---
"""Pipeline reference for scband-input-embeddings-12713103196396 (READ-ONLY COPY).

The authoritative reference and input builder live on the scoring server;
editing this copy changes nothing except your own understanding.
"""

import jax, jax.numpy as jnp
import numpy as np

VOCAB = 100000
D_MODEL = 128
BATCH = 4096
SEQ = 200

def setup_inputs(seed: int = 0) -> dict:
    key = jax.random.key(seed)
    k_idx, k_tab = jax.random.split(key)
    x = jax.random.randint(k_idx, (BATCH, SEQ), 0, VOCAB, dtype=jnp.int64 if jax.config.jax_enable_x64 else jnp.int32)
    table = jax.random.normal(k_tab, (VOCAB, D_MODEL), dtype=jnp.float32)
    return {"x": x, "table": table}

def reference(x, table):
    # Faithful to nn.Embedding forward: gather rows of the table by index.
    out = jnp.take(table, x, axis=0)  # (batch, seq_len, d_model)
    return out

if __name__ == "__main__":
    import jax
    _d = setup_inputs()
    print(jax.jit(kernel)(*tuple(_d.values())))

</pallas_src>

<mosaic_0001>
#map = affine_map<(d0, d1) -> (0, 0)>
module attributes {stable_mosaic.version = 14 : i64} {
  func.func @_sc_gather(%arg0: i32, %arg1: i32, %arg2: memref<6400x128xi32, #tpu.memory_space<hbm>>, %arg3: memref<100000x128xf32, #tpu.memory_space<hbm>>, %arg4: memref<819200x128xf32, #tpu.memory_space<hbm>>, %arg5: memref<200x128xi32, #tpu.memory_space<vmem>>, %arg6: memref<4x128x128xf32, #tpu.memory_space<vmem>>, %arg7: memref<4x!tpu.dma_semaphore, #tpu.memory_space<semaphore_mem>>, %arg8: memref<4x!tpu.dma_semaphore, #tpu.memory_space<semaphore_mem>>) attributes {dimension_semantics = [#tpu.dimension_semantics<core_parallel>, #tpu.dimension_semantics<subcore_parallel>], iteration_bounds = array<i64: 2, 16>, scalar_prefetch = 0 : i64, scratch_operands = 4 : i64, tpu.core_type = #tpu.core_type<sc_vector_subcore>, window_params = [{transform_indices = #map}, {transform_indices = #map}, {transform_indices = #map}]} {
    %mul3A = arith.constant 2 : i32
    %mul3A_0 = arith.muli %arg1, %mul3A : i32
    %add3A = arith.addi %mul3A_0, %arg0 : i32
    %mul3A_1 = arith.constant 25600 : i32
    %mul3A_2 = arith.muli %add3A, %mul3A_1 : i32
    %mul3A_3 = arith.constant 200 : i32
    %mul3A_4 = arith.muli %add3A, %mul3A_3 : i32
    "tpu.region"() ({
      %run_scoped3A = tpu.sem_alloc : memref<!tpu.dma_semaphore, #tpu.memory_space<semaphore_mem>>
      %dma_start3A_339 = arith.constant 0 : i32
      %dma_start3A_340 = tpu.memref_slice %arg2[%mul3A_4, %dma_start3A_339] : memref<6400x128xi32, #tpu.memory_space<hbm>> -> memref<200x128xi32, #tpu.memory_space<hbm>>
      %dma_start3A_341 = arith.constant 0 : i32
      %dma_start3A_342 = tpu.memref_slice %arg2[%mul3A_4, %dma_start3A_341] : memref<6400x128xi32, #tpu.memory_space<hbm>> -> memref<200x128xi32, #tpu.memory_space<hbm>>
      tpu.enqueue_dma source(%dma_start3A_342 : memref<200x128xi32, #tpu.memory_space<hbm>>) target(%arg5 : memref<200x128xi32, #tpu.memory_space<vmem>>) target_semaphore(%run_scoped3A : memref<!tpu.dma_semaphore, #tpu.memory_space<semaphore_mem>>)
      %dma_wait3A_343 = arith.constant 0 : i32
      %dma_wait3A_344 = tpu.memref_slice %arg2[%mul3A_4, %dma_wait3A_343] : memref<6400x128xi32, #tpu.memory_space<hbm>> -> memref<200x128xi32, #tpu.memory_space<hbm>>
      %dma_wait3A_345 = arith.constant 0 : i32
      %dma_wait3A_346 = tpu.memref_slice %arg2[%mul3A_4, %dma_wait3A_345] : memref<6400x128xi32, #tpu.memory_space<hbm>> -> memref<200x128xi32, #tpu.memory_space<hbm>>
      tpu.wait_dma2 semaphore(%run_scoped3A : memref<!tpu.dma_semaphore, #tpu.memory_space<semaphore_mem>>) src(%dma_wait3A_346 : memref<200x128xi32, #tpu.memory_space<hbm>>) dst(%arg5 : memref<200x128xi32, #tpu.memory_space<vmem>>)
      tpu.yield
    }) : () -> ()
    %dma_start3A = arith.constant 0 : i32
    %dma_start3A_5 = arith.constant 0 : i32
    %dma_start3A_6 = arith.constant 0 : i32
    %dma_start3A_7 = arith.constant 0 : i32
    %dma_start3A_8 = arith.constant 0 : i32
    %dma_start3A_9 = tpu.memref_slice %arg6[%dma_start3A_5, %dma_start3A_7, %dma_start3A_8] : memref<4x128x128xf32, #tpu.memory_space<vmem>> -> memref<1x128x128xf32, #tpu.memory_space<vmem>>
    %dma_start3A_10 = tpu.memref_squeeze %dma_start3A_9 : memref<1x128x128xf32, #tpu.memory_space<vmem>> -> memref<128x128xf32, #tpu.memory_space<vmem>>
    %dma_start3A_11 = arith.constant 0 : i32
    %dma_start3A_12 = tpu.memref_slice %arg5[%dma_start3A, %dma_start3A_11] : memref<200x128xi32, #tpu.memory_space<vmem>> -> memref<1x128xi32, #tpu.memory_space<vmem>>
    %dma_start3A_13 = tpu.memref_squeeze %dma_start3A_12 : memref<1x128xi32, #tpu.memory_space<vmem>> -> memref<128xi32, #tpu.memory_space<vmem>>
    %dma_start3A_14 = arith.constant 0 : i32
    %dma_start3A_15 = arith.constant 0 : i32
    %dma_start3A_16 = tpu.memref_slice %arg3[%dma_start3A_14, %dma_start3A_15] : memref<100000x128xf32, #tpu.memory_space<hbm>> -> memref<100000x128xf32, #tpu.memory_space<hbm>>
    %dma_start3A_17 = tpu.memref_slice %arg7[%dma_start3A_6] : memref<4x!tpu.dma_semaphore, #tpu.memory_space<semaphore_mem>> -> memref<1x!tpu.dma_semaphore, #tpu.memory_space<semaphore_mem>>
    %dma_start3A_18 = tpu.memref_squeeze %dma_start3A_17 : memref<1x!tpu.dma_semaphore, #tpu.memory_space<semaphore_mem>> -> memref<!tpu.dma_semaphore, #tpu.memory_space<semaphore_mem>>
    tpu.enqueue_indirect_dma source(%dma_start3A_16 : memref<100000x128xf32, #tpu.memory_space<hbm>>) target(%dma_start3A_10 : memref<128x128xf32, #tpu.memory_space<vmem>>) offsets(%dma_start3A_13 : memref<128xi32, #tpu.memory_space<vmem>>) semaphore(%dma_start3A_18 : memref<!tpu.dma_semaphore, #tpu.memory_space<semaphore_mem>>)
    %dma_start3A_19 = arith.constant 1 : i32
    %dma_start3A_20 = arith.constant 1 : i32
    %dma_start3A_21 = arith.constant 1 : i32
    %dma_start3A_22 = arith.constant 0 : i32
    %dma_start3A_23 = arith.constant 0 : i32
    %dma_start3A_24 = tpu.memref_slice %arg6[%dma_start3A_20, %dma_start3A_22, %dma_start3A_23] : memref<4x128x128xf32, #tpu.memory_space<vmem>> -> memref<1x128x128xf32, #tpu.memory_space<vmem>>
    %dma_start3A_25 = tpu.memref_squeeze %dma_start3A_24 : memref<1x128x128xf32, #tpu.memory_space<vmem>> -> memref<128x128xf32, #tpu.memory_space<vmem>>
    %dma_start3A_26 = arith.constant 0 : i32
    %dma_start3A_27 = tpu.memref_slice %arg5[%dma_start3A_19, %dma_start3A_26] : memref<200x128xi32, #tpu.memory_space<vmem>> -> memref<1x128xi32, #tpu.memory_space<vmem>>
    %dma_start3A_28 = tpu.memref_squeeze %dma_start3A_27 : memref<1x128xi32, #tpu.memory_space<vmem>> -> memref<128xi32, #tpu.memory_space<vmem>>
    %dma_start3A_29 = arith.constant 0 : i32
    %dma_start3A_30 = arith.constant 0 : i32
    %dma_start3A_31 = tpu.memref_slice %arg3[%dma_start3A_29, %dma_start3A_30] : memref<100000x128xf32, #tpu.memory_space<hbm>> -> memref<100000x128xf32, #tpu.memory_space<hbm>>
    %dma_start3A_32 = tpu.memref_slice %arg7[%dma_start3A_21] : memref<4x!tpu.dma_semaphore, #tpu.memory_space<semaphore_mem>> -> memref<1x!tpu.dma_semaphore, #tpu.memory_space<semaphore_mem>>
    %dma_start3A_33 = tpu.memref_squeeze %dma_start3A_32 : memref<1x!tpu.dma_semaphore, #tpu.memory_space<semaphore_mem>> -> memref<!tpu.dma_semaphore, #tpu.memory_space<semaphore_mem>>
    tpu.enqueue_indirect_dma source(%dma_start3A_31 : memref<100000x128xf32, #tpu.memory_space<hbm>>) target(%dma_start3A_25 : memref<128x128xf32, #tpu.memory_space<vmem>>) offsets(%dma_start3A_28 : memref<128xi32, #tpu.memory_space<vmem>>) semaphore(%dma_start3A_33 : memref<!tpu.dma_semaphore, #tpu.memory_space<semaphore_mem>>)
    %rem3A = arith.constant 2 : i32
    %rem3A_34 = arith.constant 200 : i32
    %rem3A_35 = arith.remsi %rem3A, %rem3A_34 : i32
    %dma_start3A_36 = arith.constant 2 : i32
    %dma_start3A_37 = arith.constant 2 : i32
    %dma_start3A_38 = arith.constant 0 : i32
    %dma_start3A_39 = arith.constant 0 : i32
    %dma_start3A_40 = tpu.memref_slice %arg6[%dma_start3A_36, %dma_start3A_38, %dma_start3A_39] : memref<4x128x128xf32, #tpu.memory_space<vmem>> -> memref<1x128x128xf32, #tpu.memory_space<vmem>>
    %dma_start3A_41 = tpu.memref_squeeze %dma_start3A_40 : memref<1x128x128xf32, #tpu.memory_space<vmem>> -> memref<128x128xf32, #tpu.memory_space<vmem>>
    %dma_start3A_42 = arith.constant 0 : i32
    %dma_start3A_43 = tpu.memref_slice %arg5[%rem3A_35, %dma_start3A_42] : memref<200x128xi32, #tpu.memory_space<vmem>> -> memref<1x128xi32, #tpu.memory_space<vmem>>
    %dma_start3A_44 = tpu.memref_squeeze %dma_start3A_43 : memref<1x128xi32, #tpu.memory_space<vmem>> -> memref<128xi32, #tpu.memory_space<vmem>>
    %dma_start3A_45 = arith.constant 0 : i32
    %dma_start3A_46 = arith.constant 0 : i32
    %dma_start3A_47 = tpu.memref_slice %arg3[%dma_start3A_45, %dma_start3A_46] : memref<100000x128xf32, #tpu.memory_space<hbm>> -> memref<100000x128xf32, #tpu.memory_space<hbm>>
    %dma_start3A_48 = tpu.memref_slice %arg7[%dma_start3A_37] : memref<4x!tpu.dma_semaphore, #tpu.memory_space<semaphore_mem>> -> memref<1x!tpu.dma_semaphore, #tpu.memory_space<semaphore_mem>>
    %dma_start3A_49 = tpu.memref_squeeze %dma_start3A_48 : memref<1x!tpu.dma_semaphore, #tpu.memory_space<semaphore_mem>> -> memref<!tpu.dma_semaphore, #tpu.memory_space<semaphore_mem>>
    tpu.enqueue_indirect_dma source(%dma_start3A_47 : memref<100000x128xf32, #tpu.memory_space<hbm>>) target(%dma_start3A_41 : memref<128x128xf32, #tpu.memory_space<vmem>>) offsets(%dma_start3A_44 : memref<128xi32, #tpu.memory_space<vmem>>) semaphore(%dma_start3A_49 : memref<!tpu.dma_semaphore, #tpu.memory_space<semaphore_mem>>)
    %dma_wait3A = arith.constant 0 : i32
    %dma_wait3A_50 = arith.constant 0 : i32
    %dma_wait3A_51 = arith.constant 0 : i32
    %dma_wait3A_52 = arith.constant 0 : i32
    %dma_wait3A_53 = arith.constant 0 : i32
    %dma_wait3A_54 = tpu.memref_slice %arg6[%dma_wait3A_50, %dma_wait3A_52, %dma_wait3A_53] : memref<4x128x128xf32, #tpu.memory_space<vmem>> -> memref<1x128x128xf32, #tpu.memory_space<vmem>>
    %dma_wait3A_55 = tpu.memref_squeeze %dma_wait3A_54 : memref<1x128x128xf32, #tpu.memory_space<vmem>> -> memref<128x128xf32, #tpu.memory_space<vmem>>
    %dma_wait3A_56 = arith.constant 0 : i32
    %dma_wait3A_57 = tpu.memref_slice %arg5[%dma_wait3A, %dma_wait3A_56] : memref<200x128xi32, #tpu.memory_space<vmem>> -> memref<1x128xi32, #tpu.memory_space<vmem>>
    %dma_wait3A_58 = tpu.memref_squeeze %dma_wait3A_57 : memref<1x128xi32, #tpu.memory_space<vmem>> -> memref<128xi32, #tpu.memory_space<vmem>>
    %dma_wait3A_59 = arith.constant 0 : i32
    %dma_wait3A_60 = arith.constant 0 : i32
    %dma_wait3A_61 = tpu.memref_slice %arg3[%dma_wait3A_59, %dma_wait3A_60] : memref<100000x128xf32, #tpu.memory_space<hbm>> -> memref<100000x128xf32, #tpu.memory_space<hbm>>
    %dma_wait3A_62 = tpu.memref_slice %arg7[%dma_wait3A_51] : memref<4x!tpu.dma_semaphore, #tpu.memory_space<semaphore_mem>> -> memref<1x!tpu.dma_semaphore, #tpu.memory_space<semaphore_mem>>
    %dma_wait3A_63 = tpu.memref_squeeze %dma_wait3A_62 : memref<1x!tpu.dma_semaphore, #tpu.memory_space<semaphore_mem>> -> memref<!tpu.dma_semaphore, #tpu.memory_space<semaphore_mem>>
    tpu.wait_indirect_dma semaphore(%dma_wait3A_63 : memref<!tpu.dma_semaphore, #tpu.memory_space<semaphore_mem>>) src(%dma_wait3A_61 : memref<100000x128xf32, #tpu.memory_space<hbm>>) dst(%dma_wait3A_55 : memref<128x128xf32, #tpu.memory_space<vmem>>)
    %add3A_64 = arith.constant 0 : i32
    %add3A_65 = arith.addi %mul3A_2, %add3A_64 : i32
    %dma_start3A_66 = arith.constant 0 : i32
    %dma_start3A_67 = arith.constant 0 : i32
    %dma_start3A_68 = arith.constant 0 : i32
    %dma_start3A_69 = arith.constant 0 : i32
    %dma_start3A_70 = tpu.memref_slice %arg6[%dma_start3A_66, %dma_start3A_68, %dma_start3A_69] : memref<4x128x128xf32, #tpu.memory_space<vmem>> -> memref<1x128x128xf32, #tpu.memory_space<vmem>>
    %dma_start3A_71 = tpu.memref_squeeze %dma_start3A_70 : memref<1x128x128xf32, #tpu.memory_space<vmem>> -> memref<128x128xf32, #tpu.memory_space<vmem>>
    %dma_start3A_72 = arith.constant 0 : i32
    %dma_start3A_73 = tpu.memref_slice %arg4[%add3A_65, %dma_start3A_72] : memref<819200x128xf32, #tpu.memory_space<hbm>> -> memref<128x128xf32, #tpu.memory_space<hbm>>
    %dma_start3A_74 = tpu.memref_slice %arg8[%dma_start3A_67] : memref<4x!tpu.dma_semaphore, #tpu.memory_space<semaphore_mem>> -> memref<1x!tpu.dma_semaphore, #tpu.memory_space<semaphore_mem>>
    %dma_start3A_75 = tpu.memref_squeeze %dma_start3A_74 : memref<1x!tpu.dma_semaphore, #tpu.memory_space<semaphore_mem>> -> memref<!tpu.dma_semaphore, #tpu.memory_space<semaphore_mem>>
    %dma_start3A_76 = arith.constant 0 : i32
    %dma_start3A_77 = tpu.memref_slice %arg4[%add3A_65, %dma_start3A_76] : memref<819200x128xf32, #tpu.memory_space<hbm>> -> memref<128x128xf32, #tpu.memory_space<hbm>>
    %dma_start3A_78 = arith.constant 0 : i32
    %dma_start3A_79 = arith.constant 0 : i32
    %dma_start3A_80 = tpu.memref_slice %arg6[%dma_start3A_66, %dma_start3A_78, %dma_start3A_79] : memref<4x128x128xf32, #tpu.memory_space<vmem>> -> memref<1x128x128xf32, #tpu.memory_space<vmem>>
    %dma_start3A_81 = tpu.memref_squeeze %dma_start3A_80 : memref<1x128x128xf32, #tpu.memory_space<vmem>> -> memref<128x128xf32, #tpu.memory_space<vmem>>
    tpu.enqueue_dma source(%dma_start3A_81 : memref<128x128xf32, #tpu.memory_space<vmem>>) target(%dma_start3A_77 : memref<128x128xf32, #tpu.memory_space<hbm>>) target_semaphore(%dma_start3A_75 : memref<!tpu.dma_semaphore, #tpu.memory_space<semaphore_mem>>)
    %rem3A_82 = arith.constant 3 : i32
    %rem3A_83 = arith.constant 200 : i32
    %rem3A_84 = arith.remsi %rem3A_82, %rem3A_83 : i32
    %dma_start3A_85 = arith.constant 3 : i32
    %dma_start3A_86 = arith.constant 3 : i32
    %dma_start3A_87 = arith.constant 0 : i32
    %dma_start3A_88 = arith.constant 0 : i32
    %dma_start3A_89 = tpu.memref_slice %arg6[%dma_start3A_85, %dma_start3A_87, %dma_start3A_88] : memref<4x128x128xf32, #tpu.memory_space<vmem>> -> memref<1x128x128xf32, #tpu.memory_space<vmem>>
    %dma_start3A_90 = tpu.memref_squeeze %dma_start3A_89 : memref<1x128x128xf32, #tpu.memory_space<vmem>> -> memref<128x128xf32, #tpu.memory_space<vmem>>
    %dma_start3A_91 = arith.constant 0 : i32
    %dma_start3A_92 = tpu.memref_slice %arg5[%rem3A_84, %dma_start3A_91] : memref<200x128xi32, #tpu.memory_space<vmem>> -> memref<1x128xi32, #tpu.memory_space<vmem>>
    %dma_start3A_93 = tpu.memref_squeeze %dma_start3A_92 : memref<1x128xi32, #tpu.memory_space<vmem>> -> memref<128xi32, #tpu.memory_space<vmem>>
    %dma_start3A_94 = arith.constant 0 : i32
    %dma_start3A_95 = arith.constant 0 : i32
    %dma_start3A_96 = tpu.memref_slice %arg3[%dma_start3A_94, %dma_start3A_95] : memref<100000x128xf32, #tpu.memory_space<hbm>> -> memref<100000x128xf32, #tpu.memory_space<hbm>>
    %dma_start3A_97 = tpu.memref_slice %arg7[%dma_start3A_86] : memref<4x!tpu.dma_semaphore, #tpu.memory_space<semaphore_mem>> -> memref<1x!tpu.dma_semaphore, #tpu.memory_space<semaphore_mem>>
    %dma_start3A_98 = tpu.memref_squeeze %dma_start3A_97 : memref<1x!tpu.dma_semaphore, #tpu.memory_space<semaphore_mem>> -> memref<!tpu.dma_semaphore, #tpu.memory_space<semaphore_mem>>
    tpu.enqueue_indirect_dma source(%dma_start3A_96 : memref<100000x128xf32, #tpu.memory_space<hbm>>) target(%dma_start3A_90 : memref<128x128xf32, #tpu.memory_space<vmem>>) offsets(%dma_start3A_93 : memref<128xi32, #tpu.memory_space<vmem>>) semaphore(%dma_start3A_98 : memref<!tpu.dma_semaphore, #tpu.memory_space<semaphore_mem>>)
    %dma_wait3A_99 = arith.constant 1 : i32
    %dma_wait3A_100 = arith.constant 1 : i32
    %dma_wait3A_101 = arith.constant 1 : i32
    %dma_wait3A_102 = arith.constant 0 : i32
    %dma_wait3A_103 = arith.constant 0 : i32
    %dma_wait3A_104 = tpu.memref_slice %arg6[%dma_wait3A_100, %dma_wait3A_102, %dma_wait3A_103] : memref<4x128x128xf32, #tpu.memory_space<vmem>> -> memref<1x128x128xf32, #tpu.memory_space<vmem>>
    %dma_wait3A_105 = tpu.memref_squeeze %dma_wait3A_104 : memref<1x128x128xf32, #tpu.memory_space<vmem>> -> memref<128x128xf32, #tpu.memory_space<vmem>>
    %dma_wait3A_106 = arith.constant 0 : i32
    %dma_wait3A_107 = tpu.memref_slice %arg5[%dma_wait3A_99, %dma_wait3A_106] : memref<200x128xi32, #tpu.memory_space<vmem>> -> memref<1x128xi32, #tpu.memory_space<vmem>>
    %dma_wait3A_108 = tpu.memref_squeeze %dma_wait3A_107 : memref<1x128xi32, #tpu.memory_space<vmem>> -> memref<128xi32, #tpu.memory_space<vmem>>
    %dma_wait3A_109 = arith.constant 0 : i32
    %dma_wait3A_110 = arith.constant 0 : i32
    %dma_wait3A_111 = tpu.memref_slice %arg3[%dma_wait3A_109, %dma_wait3A_110] : memref<100000x128xf32, #tpu.memory_space<hbm>> -> memref<100000x128xf32, #tpu.memory_space<hbm>>
    %dma_wait3A_112 = tpu.memref_slice %arg7[%dma_wait3A_101] : memref<4x!tpu.dma_semaphore, #tpu.memory_space<semaphore_mem>> -> memref<1x!tpu.dma_semaphore, #tpu.memory_space<semaphore_mem>>
    %dma_wait3A_113 = tpu.memref_squeeze %dma_wait3A_112 : memref<1x!tpu.dma_semaphore, #tpu.memory_space<semaphore_mem>> -> memref<!tpu.dma_semaphore, #tpu.memory_space<semaphore_mem>>
    tpu.wait_indirect_dma semaphore(%dma_wait3A_113 : memref<!tpu.dma_semaphore, #tpu.memory_space<semaphore_mem>>) src(%dma_wait3A_111 : memref<100000x128xf32, #tpu.memory_space<hbm>>) dst(%dma_wait3A_105 : memref<128x128xf32, #tpu.memory_space<vmem>>)
    %add3A_114 = arith.constant 128 : i32
    %add3A_115 = arith.addi %mul3A_2, %add3A_114 : i32
    %dma_start3A_116 = arith.constant 1 : i32
    %dma_start3A_117 = arith.constant 1 : i32
    %dma_start3A_118 = arith.constant 0 : i32
    %dma_start3A_119 = arith.constant 0 : i32
    %dma_start3A_120 = tpu.memref_slice %arg6[%dma_start3A_116, %dma_start3A_118, %dma_start3A_119] : memref<4x128x128xf32, #tpu.memory_space<vmem>> -> memref<1x128x128xf32, #tpu.memory_space<vmem>>
    %dma_start3A_121 = tpu.memref_squeeze %dma_start3A_120 : memref<1x128x128xf32, #tpu.memory_space<vmem>> -> memref<128x128xf32, #tpu.memory_space<vmem>>
    %dma_start3A_122 = arith.constant 0 : i32
    %dma_start3A_123 = tpu.memref_slice %arg4[%add3A_115, %dma_start3A_122] : memref<819200x128xf32, #tpu.memory_space<hbm>> -> memref<128x128xf32, #tpu.memory_space<hbm>>
    %dma_start3A_124 = tpu.memref_slice %arg8[%dma_start3A_117] : memref<4x!tpu.dma_semaphore, #tpu.memory_space<semaphore_mem>> -> memref<1x!tpu.dma_semaphore, #tpu.memory_space<semaphore_mem>>
    %dma_start3A_125 = tpu.memref_squeeze %dma_start3A_124 : memref<1x!tpu.dma_semaphore, #tpu.memory_space<semaphore_mem>> -> memref<!tpu.dma_semaphore, #tpu.memory_space<semaphore_mem>>
    %dma_start3A_126 = arith.constant 0 : i32
    %dma_start3A_127 = tpu.memref_slice %arg4[%add3A_115, %dma_start3A_126] : memref<819200x128xf32, #tpu.memory_space<hbm>> -> memref<128x128xf32, #tpu.memory_space<hbm>>
    %dma_start3A_128 = arith.constant 0 : i32
    %dma_start3A_129 = arith.constant 0 : i32
    %dma_start3A_130 = tpu.memref_slice %arg6[%dma_start3A_116, %dma_start3A_128, %dma_start3A_129] : memref<4x128x128xf32, #tpu.memory_space<vmem>> -> memref<1x128x128xf32, #tpu.memory_space<vmem>>
    %dma_start3A_131 = tpu.memref_squeeze %dma_start3A_130 : memref<1x128x128xf32, #tpu.memory_space<vmem>> -> memref<128x128xf32, #tpu.memory_space<vmem>>
    tpu.enqueue_dma source(%dma_start3A_131 : memref<128x128xf32, #tpu.memory_space<vmem>>) target(%dma_start3A_127 : memref<128x128xf32, #tpu.memory_space<hbm>>) target_semaphore(%dma_start3A_125 : memref<!tpu.dma_semaphore, #tpu.memory_space<semaphore_mem>>)
    %add3A_132 = arith.constant 0 : i32
    %add3A_133 = arith.addi %mul3A_2, %add3A_132 : i32
    %dma_wait3A_134 = arith.constant 0 : i32
    %dma_wait3A_135 = arith.constant 0 : i32
    %dma_wait3A_136 = arith.constant 0 : i32
    %dma_wait3A_137 = arith.constant 0 : i32
    %dma_wait3A_138 = tpu.memref_slice %arg6[%dma_wait3A_134, %dma_wait3A_136, %dma_wait3A_137] : memref<4x128x128xf32, #tpu.memory_space<vmem>> -> memref<1x128x128xf32, #tpu.memory_space<vmem>>
    %dma_wait3A_139 = tpu.memref_squeeze %dma_wait3A_138 : memref<1x128x128xf32, #tpu.memory_space<vmem>> -> memref<128x128xf32, #tpu.memory_space<vmem>>
    %dma_wait3A_140 = arith.constant 0 : i32
    %dma_wait3A_141 = tpu.memref_slice %arg4[%add3A_133, %dma_wait3A_140] : memref<819200x128xf32, #tpu.memory_space<hbm>> -> memref<128x128xf32, #tpu.memory_space<hbm>>
    %dma_wait3A_142 = tpu.memref_slice %arg8[%dma_wait3A_135] : memref<4x!tpu.dma_semaphore, #tpu.memory_space<semaphore_mem>> -> memref<1x!tpu.dma_semaphore, #tpu.memory_space<semaphore_mem>>
    %dma_wait3A_143 = tpu.memref_squeeze %dma_wait3A_142 : memref<1x!tpu.dma_semaphore, #tpu.memory_space<semaphore_mem>> -> memref<!tpu.dma_semaphore, #tpu.memory_space<semaphore_mem>>
    %dma_wait3A_144 = arith.constant 0 : i32
    %dma_wait3A_145 = tpu.memref_slice %arg4[%add3A_133, %dma_wait3A_144] : memref<819200x128xf32, #tpu.memory_space<hbm>> -> memref<128x128xf32, #tpu.memory_space<hbm>>
    %dma_wait3A_146 = arith.constant 0 : i32
    %dma_wait3A_147 = arith.constant 0 : i32
    %dma_wait3A_148 = tpu.memref_slice %arg6[%dma_wait3A_134, %dma_wait3A_146, %dma_wait3A_147] : memref<4x128x128xf32, #tpu.memory_space<vmem>> -> memref<1x128x128xf32, #tpu.memory_space<vmem>>
    %dma_wait3A_149 = tpu.memref_squeeze %dma_wait3A_148 : memref<1x128x128xf32, #tpu.memory_space<vmem>> -> memref<128x128xf32, #tpu.memory_space<vmem>>
    tpu.wait_dma2 semaphore(%dma_wait3A_143 : memref<!tpu.dma_semaphore, #tpu.memory_space<semaphore_mem>>) src(%dma_wait3A_149 : memref<128x128xf32, #tpu.memory_space<vmem>>) dst(%dma_wait3A_145 : memref<128x128xf32, #tpu.memory_space<hbm>>)
    %rem3A_150 = arith.constant 4 : i32
    %rem3A_151 = arith.constant 200 : i32
    %rem3A_152 = arith.remsi %rem3A_150, %rem3A_151 : i32
    %dma_start3A_153 = arith.constant 0 : i32
    %dma_start3A_154 = arith.constant 0 : i32
    %dma_start3A_155 = arith.constant 0 : i32
    %dma_start3A_156 = arith.constant 0 : i32
    %dma_start3A_157 = tpu.memref_slice %arg6[%dma_start3A_153, %dma_start3A_155, %dma_start3A_156] : memref<4x128x128xf32, #tpu.memory_space<vmem>> -> memref<1x128x128xf32, #tpu.memory_space<vmem>>
    %dma_start3A_158 = tpu.memref_squeeze %dma_start3A_157 : memref<1x128x128xf32, #tpu.memory_space<vmem>> -> memref<128x128xf32, #tpu.memory_space<vmem>>
    %dma_start3A_159 = arith.constant 0 : i32
    %dma_start3A_160 = tpu.memref_slice %arg5[%rem3A_152, %dma_start3A_159] : memref<200x128xi32, #tpu.memory_space<vmem>> -> memref<1x128xi32, #tpu.memory_space<vmem>>
    %dma_start3A_161 = tpu.memref_squeeze %dma_start3A_160 : memref<1x128xi32, #tpu.memory_space<vmem>> -> memref<128xi32, #tpu.memory_space<vmem>>
    %dma_start3A_162 = arith.constant 0 : i32
    %dma_start3A_163 = arith.constant 0 : i32
    %dma_start3A_164 = tpu.memref_slice %arg3[%dma_start3A_162, %dma_start3A_163] : memref<100000x128xf32, #tpu.memory_space<hbm>> -> memref<100000x128xf32, #tpu.memory_space<hbm>>
    %dma_start3A_165 = tpu.memref_slice %arg7[%dma_start3A_154] : memref<4x!tpu.dma_semaphore, #tpu.memory_space<semaphore_mem>> -> memref<1x!tpu.dma_semaphore, #tpu.memory_space<semaphore_mem>>
    %dma_start3A_166 = tpu.memref_squeeze %dma_start3A_165 : memref<1x!tpu.dma_semaphore, #tpu.memory_space<semaphore_mem>> -> memref<!tpu.dma_semaphore, #tpu.memory_space<semaphore_mem>>
    tpu.enqueue_indirect_dma source(%dma_start3A_164 : memref<100000x128xf32, #tpu.memory_space<hbm>>) target(%dma_start3A_158 : memref<128x128xf32, #tpu.memory_space<vmem>>) offsets(%dma_start3A_161 : memref<128xi32, #tpu.memory_space<vmem>>) semaphore(%dma_start3A_166 : memref<!tpu.dma_semaphore, #tpu.memory_space<semaphore_mem>>)
    %dma_wait3A_167 = arith.constant 2 : i32
    %dma_wait3A_168 = arith.constant 2 : i32
    %dma_wait3A_169 = arith.constant 2 : i32
    %dma_wait3A_170 = arith.constant 0 : i32
    %dma_wait3A_171 = arith.constant 0 : i32
    %dma_wait3A_172 = tpu.memref_slice %arg6[%dma_wait3A_168, %dma_wait3A_170, %dma_wait3A_171] : memref<4x128x128xf32, #tpu.memory_space<vmem>> -> memref<1x128x128xf32, #tpu.memory_space<vmem>>
    %dma_wait3A_173 = tpu.memref_squeeze %dma_wait3A_172 : memref<1x128x128xf32, #tpu.memory_space<vmem>> -> memref<128x128xf32, #tpu.memory_space<vmem>>
    %dma_wait3A_174 = arith.constant 0 : i32
    %dma_wait3A_175 = tpu.memref_slice %arg5[%dma_wait3A_167, %dma_wait3A_174] : memref<200x128xi32, #tpu.memory_space<vmem>> -> memref<1x128xi32, #tpu.memory_space<vmem>>
    %dma_wait3A_176 = tpu.memref_squeeze %dma_wait3A_175 : memref<1x128xi32, #tpu.memory_space<vmem>> -> memref<128xi32, #tpu.memory_space<vmem>>
    %dma_wait3A_177 = arith.constant 0 : i32
    %dma_wait3A_178 = arith.constant 0 : i32
    %dma_wait3A_179 = tpu.memref_slice %arg3[%dma_wait3A_177, %dma_wait3A_178] : memref<100000x128xf32, #tpu.memory_space<hbm>> -> memref<100000x128xf32, #tpu.memory_space<hbm>>
    %dma_wait3A_180 = tpu.memref_slice %arg7[%dma_wait3A_169] : memref<4x!tpu.dma_semaphore, #tpu.memory_space<semaphore_mem>> -> memref<1x!tpu.dma_semaphore, #tpu.memory_space<semaphore_mem>>
    %dma_wait3A_181 = tpu.memref_squeeze %dma_wait3A_180 : memref<1x!tpu.dma_semaphore, #tpu.memory_space<semaphore_mem>> -> memref<!tpu.dma_semaphore, #tpu.memory_space<semaphore_mem>>
    tpu.wait_indirect_dma semaphore(%dma_wait3A_181 : memref<!tpu.dma_semaphore, #tpu.memory_space<semaphore_mem>>) src(%dma_wait3A_179 : memref<100000x128xf32, #tpu.memory_space<hbm>>) dst(%dma_wait3A_173 : memref<128x128xf32, #tpu.memory_space<vmem>>)
    %add3A_182 = arith.constant 256 : i32
    %add3A_183 = arith.addi %mul3A_2, %add3A_182 : i32
    %dma_start3A_184 = arith.constant 2 : i32
    %dma_start3A_185 = arith.constant 2 : i32
    %dma_start3A_186 = arith.constant 0 : i32
    %dma_start3A_187 = arith.constant 0 : i32
    %dma_start3A_188 = tpu.memref_slice %arg6[%dma_start3A_184, %dma_start3A_186, %dma_start3A_187] : memref<4x128x128xf32, #tpu.memory_space<vmem>> -> memref<1x128x128xf32, #tpu.memory_space<vmem>>
    %dma_start3A_189 = tpu.memref_squeeze %dma_start3A_188 : memref<1x128x128xf32, #tpu.memory_space<vmem>> -> memref<128x128xf32, #tpu.memory_space<vmem>>
    %dma_start3A_190 = arith.constant 0 : i32
    %dma_start3A_191 = tpu.memref_slice %arg4[%add3A_183, %dma_start3A_190] : memref<819200x128xf32, #tpu.memory_space<hbm>> -> memref<128x128xf32, #tpu.memory_space<hbm>>
    %dma_start3A_192 = tpu.memref_slice %arg8[%dma_start3A_185] : memref<4x!tpu.dma_semaphore, #tpu.memory_space<semaphore_mem>> -> memref<1x!tpu.dma_semaphore, #tpu.memory_space<semaphore_mem>>
    %dma_start3A_193 = tpu.memref_squeeze %dma_start3A_192 : memref<1x!tpu.dma_semaphore, #tpu.memory_space<semaphore_mem>> -> memref<!tpu.dma_semaphore, #tpu.memory_space<semaphore_mem>>
    %dma_start3A_194 = arith.constant 0 : i32
    %dma_start3A_195 = tpu.memref_slice %arg4[%add3A_183, %dma_start3A_194] : memref<819200x128xf32, #tpu.memory_space<hbm>> -> memref<128x128xf32, #tpu.memory_space<hbm>>
    %dma_start3A_196 = arith.constant 0 : i32
    %dma_start3A_197 = arith.constant 0 : i32
    %dma_start3A_198 = tpu.memref_slice %arg6[%dma_start3A_184, %dma_start3A_196, %dma_start3A_197] : memref<4x128x128xf32, #tpu.memory_space<vmem>> -> memref<1x128x128xf32, #tpu.memory_space<vmem>>
    %dma_start3A_199 = tpu.memref_squeeze %dma_start3A_198 : memref<1x128x128xf32, #tpu.memory_space<vmem>> -> memref<128x128xf32, #tpu.memory_space<vmem>>
    tpu.enqueue_dma source(%dma_start3A_199 : memref<128x128xf32, #tpu.memory_space<vmem>>) target(%dma_start3A_195 : memref<128x128xf32, #tpu.memory_space<hbm>>) target_semaphore(%dma_start3A_193 : memref<!tpu.dma_semaphore, #tpu.memory_space<semaphore_mem>>)
    %add3A_200 = arith.constant 128 : i32
    %add3A_201 = arith.addi %mul3A_2, %add3A_200 : i32
    %dma_wait3A_202 = arith.constant 1 : i32
    %dma_wait3A_203 = arith.constant 1 : i32
    %dma_wait3A_204 = arith.constant 0 : i32
    %dma_wait3A_205 = arith.constant 0 : i32
    %dma_wait3A_206 = tpu.memref_slice %arg6[%dma_wait3A_202, %dma_wait3A_204, %dma_wait3A_205] : memref<4x128x128xf32, #tpu.memory_space<vmem>> -> memref<1x128x128xf32, #tpu.memory_space<vmem>>
    %dma_wait3A_207 = tpu.memref_squeeze %dma_wait3A_206 : memref<1x128x128xf32, #tpu.memory_space<vmem>> -> memref<128x128xf32, #tpu.memory_space<vmem>>
    %dma_wait3A_208 = arith.constant 0 : i32
    %dma_wait3A_209 = tpu.memref_slice %arg4[%add3A_201, %dma_wait3A_208] : memref<819200x128xf32, #tpu.memory_space<hbm>> -> memref<128x128xf32, #tpu.memory_space<hbm>>
    %dma_wait3A_210 = tpu.memref_slice %arg8[%dma_wait3A_203] : memref<4x!tpu.dma_semaphore, #tpu.memory_space<semaphore_mem>> -> memref<1x!tpu.dma_semaphore, #tpu.memory_space<semaphore_mem>>
    %dma_wait3A_211 = tpu.memref_squeeze %dma_wait3A_210 : memref<1x!tpu.dma_semaphore, #tpu.memory_space<semaphore_mem>> -> memref<!tpu.dma_semaphore, #tpu.memory_space<semaphore_mem>>
    %dma_wait3A_212 = arith.constant 0 : i32
    %dma_wait3A_213 = tpu.memref_slice %arg4[%add3A_201, %dma_wait3A_212] : memref<819200x128xf32, #tpu.memory_space<hbm>> -> memref<128x128xf32, #tpu.memory_space<hbm>>
    %dma_wait3A_214 = arith.constant 0 : i32
    %dma_wait3A_215 = arith.constant 0 : i32
    %dma_wait3A_216 = tpu.memref_slice %arg6[%dma_wait3A_202, %dma_wait3A_214, %dma_wait3A_215] : memref<4x128x128xf32, #tpu.memory_space<vmem>> -> memref<1x128x128xf32, #tpu.memory_space<vmem>>
    %dma_wait3A_217 = tpu.memref_squeeze %dma_wait3A_216 : memref<1x128x128xf32, #tpu.memory_space<vmem>> -> memref<128x128xf32, #tpu.memory_space<vmem>>
    tpu.wait_dma2 semaphore(%dma_wait3A_211 : memref<!tpu.dma_semaphore, #tpu.memory_space<semaphore_mem>>) src(%dma_wait3A_217 : memref<128x128xf32, #tpu.memory_space<vmem>>) dst(%dma_wait3A_213 : memref<128x128xf32, #tpu.memory_space<hbm>>)
    %rem3A_218 = arith.constant 5 : i32
    %rem3A_219 = arith.constant 200 : i32
    %rem3A_220 = arith.remsi %rem3A_218, %rem3A_219 : i32
    %dma_start3A_221 = arith.constant 1 : i32
    %dma_start3A_222 = arith.constant 1 : i32
    %dma_start3A_223 = arith.constant 0 : i32
    %dma_start3A_224 = arith.constant 0 : i32
    %dma_start3A_225 = tpu.memref_slice %arg6[%dma_start3A_221, %dma_start3A_223, %dma_start3A_224] : memref<4x128x128xf32, #tpu.memory_space<vmem>> -> memref<1x128x128xf32, #tpu.memory_space<vmem>>
    %dma_start3A_226 = tpu.memref_squeeze %dma_start3A_225 : memref<1x128x128xf32, #tpu.memory_space<vmem>> -> memref<128x128xf32, #tpu.memory_space<vmem>>
    %dma_start3A_227 = arith.constant 0 : i32
    %dma_start3A_228 = tpu.memref_slice %arg5[%rem3A_220, %dma_start3A_227] : memref<200x128xi32, #tpu.memory_space<vmem>> -> memref<1x128xi32, #tpu.memory_space<vmem>>
    %dma_start3A_229 = tpu.memref_squeeze %dma_start3A_228 : memref<1x128xi32, #tpu.memory_space<vmem>> -> memref<128xi32, #tpu.memory_space<vmem>>
    %dma_start3A_230 = arith.constant 0 : i32
    %dma_start3A_231 = arith.constant 0 : i32
    %dma_start3A_232 = tpu.memref_slice %arg3[%dma_start3A_230, %dma_start3A_231] : memref<100000x128xf32, #tpu.memory_space<hbm>> -> memref<100000x128xf32, #tpu.memory_space<hbm>>
    %dma_start3A_233 = tpu.memref_slice %arg7[%dma_start3A_222] : memref<4x!tpu.dma_semaphore, #tpu.memory_space<semaphore_mem>> -> memref<1x!tpu.dma_semaphore, #tpu.memory_space<semaphore_mem>>
    %dma_start3A_234 = tpu.memref_squeeze %dma_start3A_233 : memref<1x!tpu.dma_semaphore, #tpu.memory_space<semaphore_mem>> -> memref<!tpu.dma_semaphore, #tpu.memory_space<semaphore_mem>>
    tpu.enqueue_indirect_dma source(%dma_start3A_232 : memref<100000x128xf32, #tpu.memory_space<hbm>>) target(%dma_start3A_226 : memref<128x128xf32, #tpu.memory_space<vmem>>) offsets(%dma_start3A_229 : memref<128xi32, #tpu.memory_space<vmem>>) semaphore(%dma_start3A_234 : memref<!tpu.dma_semaphore, #tpu.memory_space<semaphore_mem>>)
    %dma_wait3A_235 = arith.constant 3 : i32
    %dma_wait3A_236 = arith.constant 3 : i32
    %dma_wait3A_237 = arith.constant 3 : i32
    %dma_wait3A_238 = arith.constant 0 : i32
    %dma_wait3A_239 = arith.constant 0 : i32
    %dma_wait3A_240 = tpu.memref_slice %arg6[%dma_wait3A_236, %dma_wait3A_238, %dma_wait3A_239] : memref<4x128x128xf32, #tpu.memory_space<vmem>> -> memref<1x128x128xf32, #tpu.memory_space<vmem>>
    %dma_wait3A_241 = tpu.memref_squeeze %dma_wait3A_240 : memref<1x128x128xf32, #tpu.memory_space<vmem>> -> memref<128x128xf32, #tpu.memory_space<vmem>>
    %dma_wait3A_242 = arith.constant 0 : i32
    %dma_wait3A_243 = tpu.memref_slice %arg5[%dma_wait3A_235, %dma_wait3A_242] : memref<200x128xi32, #tpu.memory_space<vmem>> -> memref<1x128xi32, #tpu.memory_space<vmem>>
    %dma_wait3A_244 = tpu.memref_squeeze %dma_wait3A_243 : memref<1x128xi32, #tpu.memory_space<vmem>> -> memref<128xi32, #tpu.memory_space<vmem>>
    %dma_wait3A_245 = arith.constant 0 : i32
    %dma_wait3A_246 = arith.constant 0 : i32
    %dma_wait3A_247 = tpu.memref_slice %arg3[%dma_wait3A_245, %dma_wait3A_246] : memref<100000x128xf32, #tpu.memory_space<hbm>> -> memref<100000x128xf32, #tpu.memory_space<hbm>>
    %dma_wait3A_248 = tpu.memref_slice %arg7[%dma_wait3A_237] : memref<4x!tpu.dma_semaphore, #tpu.memory_space<semaphore_mem>> -> memref<1x!tpu.dma_semaphore, #tpu.memory_space<semaphore_mem>>
    %dma_wait3A_249 = tpu.memref_squeeze %dma_wait3A_248 : memref<1x!tpu.dma_semaphore, #tpu.memory_space<semaphore_mem>> -> memref<!tpu.dma_semaphore, #tpu.memory_space<semaphore_mem>>
    tpu.wait_indirect_dma semaphore(%dma_wait3A_249 : memref<!tpu.dma_semaphore, #tpu.memory_space<semaphore_mem>>) src(%dma_wait3A_247 : memref<100000x128xf32, #tpu.memory_space<hbm>>) dst(%dma_wait3A_241 : memref<128x128xf32, #tpu.memory_space<vmem>>)
    %add3A_250 = arith.constant 384 : i32
    %add3A_251 = arith.addi %mul3A_2, %add3A_250 : i32
    %dma_start3A_252 = arith.constant 3 : i32
    %dma_start3A_253 = arith.constant 3 : i32
    %dma_start3A_254 = arith.constant 0 : i32
    %dma_start3A_255 = arith.constant 0 : i32
    %dma_start3A_256 = tpu.memref_slice %arg6[%dma_start3A_252, %dma_start3A_254, %dma_start3A_255] : memref<4x128x128xf32, #tpu.memory_space<vmem>> -> memref<1x128x128xf32, #tpu.memory_space<vmem>>
    %dma_start3A_257 = tpu.memref_squeeze %dma_start3A_256 : memref<1x128x128xf32, #tpu.memory_space<vmem>> -> memref<128x128xf32, #tpu.memory_space<vmem>>
    %dma_start3A_258 = arith.constant 0 : i32
    %dma_start3A_259 = tpu.memref_slice %arg4[%add3A_251, %dma_start3A_258] : memref<819200x128xf32, #tpu.memory_space<hbm>> -> memref<128x128xf32, #tpu.memory_space<hbm>>
    %dma_start3A_260 = tpu.memref_slice %arg8[%dma_start3A_253] : memref<4x!tpu.dma_semaphore, #tpu.memory_space<semaphore_mem>> -> memref<1x!tpu.dma_semaphore, #tpu.memory_space<semaphore_mem>>
    %dma_start3A_261 = tpu.memref_squeeze %dma_start3A_260 : memref<1x!tpu.dma_semaphore, #tpu.memory_space<semaphore_mem>> -> memref<!tpu.dma_semaphore, #tpu.memory_space<semaphore_mem>>
    %dma_start3A_262 = arith.constant 0 : i32
    %dma_start3A_263 = tpu.memref_slice %arg4[%add3A_251, %dma_start3A_262] : memref<819200x128xf32, #tpu.memory_space<hbm>> -> memref<128x128xf32, #tpu.memory_space<hbm>>
    %dma_start3A_264 = arith.constant 0 : i32
    %dma_start3A_265 = arith.constant 0 : i32
    %dma_start3A_266 = tpu.memref_slice %arg6[%dma_start3A_252, %dma_start3A_264, %dma_start3A_265] : memref<4x128x128xf32, #tpu.memory_space<vmem>> -> memref<1x128x128xf32, #tpu.memory_space<vmem>>
    %dma_start3A_267 = tpu.memref_squeeze %dma_start3A_266 : memref<1x128x128xf32, #tpu.memory_space<vmem>> -> memref<128x128xf32, #tpu.memory_space<vmem>>
    tpu.enqueue_dma source(%dma_start3A_267 : memref<128x128xf32, #tpu.memory_space<vmem>>) target(%dma_start3A_263 : memref<128x128xf32, #tpu.memory_space<hbm>>) target_semaphore(%dma_start3A_261 : memref<!tpu.dma_semaphore, #tpu.memory_space<semaphore_mem>>)
    %scan3A = arith.constant 0 : i32
    %scan3A_268 = arith.constant 1 : i32
    %scan3A_269 = arith.constant 49 : i32
    %scan3A_270 = arith.addi %scan3A_268, %scan3A_269 : i32
    %scan3A_271 = arith.constant 1 : i32
    scf.for %scan3A_339 = %scan3A_268 to %scan3A_270 step %scan3A_271  : i32 {
      %mul3A_340 = arith.constant 4 : i32
      %mul3A_341 = arith.muli %scan3A_339, %mul3A_340 : i32
      %add3A_342 = arith.constant 0 : i32
      %add3A_343 = arith.addi %mul3A_341, %add3A_342 : i32
      %sub3A = arith.constant 2 : i32
      %sub3A_344 = arith.subi %add3A_343, %sub3A : i32
      %mul3A_345 = arith.constant 128 : i32
      %mul3A_346 = arith.muli %sub3A_344, %mul3A_345 : i32
      %add3A_347 = arith.addi %mul3A_2, %mul3A_346 : i32
      %dma_wait3A_348 = arith.constant 2 : i32
      %dma_wait3A_349 = arith.constant 2 : i32
      %dma_wait3A_350 = arith.constant 0 : i32
      %dma_wait3A_351 = arith.constant 0 : i32
      %dma_wait3A_352 = tpu.memref_slice %arg6[%dma_wait3A_348, %dma_wait3A_350, %dma_wait3A_351] : memref<4x128x128xf32, #tpu.memory_space<vmem>> -> memref<1x128x128xf32, #tpu.memory_space<vmem>>
      %dma_wait3A_353 = tpu.memref_squeeze %dma_wait3A_352 : memref<1x128x128xf32, #tpu.memory_space<vmem>> -> memref<128x128xf32, #tpu.memory_space<vmem>>
      %dma_wait3A_354 = arith.constant 0 : i32
      %dma_wait3A_355 = tpu.memref_slice %arg4[%add3A_347, %dma_wait3A_354] : memref<819200x128xf32, #tpu.memory_space<hbm>> -> memref<128x128xf32, #tpu.memory_space<hbm>>
      %dma_wait3A_356 = tpu.memref_slice %arg8[%dma_wait3A_349] : memref<4x!tpu.dma_semaphore, #tpu.memory_space<semaphore_mem>> -> memref<1x!tpu.dma_semaphore, #tpu.memory_space<semaphore_mem>>
      %dma_wait3A_357 = tpu.memref_squeeze %dma_wait3A_356 : memref<1x!tpu.dma_semaphore, #tpu.memory_space<semaphore_mem>> -> memref<!tpu.dma_semaphore, #tpu.memory_space<semaphore_mem>>
      %dma_wait3A_358 = arith.constant 0 : i32
      %dma_wait3A_359 = tpu.memref_slice %arg4[%add3A_347, %dma_wait3A_358] : memref<819200x128xf32, #tpu.memory_space<hbm>> -> memref<128x128xf32, #tpu.memory_space<hbm>>
      %dma_wait3A_360 = arith.constant 0 : i32
      %dma_wait3A_361 = arith.constant 0 : i32
      %dma_wait3A_362 = tpu.memref_slice %arg6[%dma_wait3A_348, %dma_wait3A_360, %dma_wait3A_361] : memref<4x128x128xf32, #tpu.memory_space<vmem>> -> memref<1x128x128xf32, #tpu.memory_space<vmem>>
      %dma_wait3A_363 = tpu.memref_squeeze %dma_wait3A_362 : memref<1x128x128xf32, #tpu.memory_space<vmem>> -> memref<128x128xf32, #tpu.memory_space<vmem>>
      tpu.wait_dma2 semaphore(%dma_wait3A_357 : memref<!tpu.dma_semaphore, #tpu.memory_space<semaphore_mem>>) src(%dma_wait3A_363 : memref<128x128xf32, #tpu.memory_space<vmem>>) dst(%dma_wait3A_359 : memref<128x128xf32, #tpu.memory_space<hbm>>)
      %add3A_364 = arith.constant 2 : i32
      %add3A_365 = arith.addi %add3A_343, %add3A_364 : i32
      %rem3A_366 = arith.constant 200 : i32
      %rem3A_367 = arith.remsi %add3A_365, %rem3A_366 : i32
      %dma_start3A_368 = arith.constant 2 : i32
      %dma_start3A_369 = arith.constant 2 : i32
      %dma_start3A_370 = arith.constant 0 : i32
      %dma_start3A_371 = arith.constant 0 : i32
      %dma_start3A_372 = tpu.memref_slice %arg6[%dma_start3A_368, %dma_start3A_370, %dma_start3A_371] : memref<4x128x128xf32, #tpu.memory_space<vmem>> -> memref<1x128x128xf32, #tpu.memory_space<vmem>>
      %dma_start3A_373 = tpu.memref_squeeze %dma_start3A_372 : memref<1x128x128xf32, #tpu.memory_space<vmem>> -> memref<128x128xf32, #tpu.memory_space<vmem>>
      %dma_start3A_374 = arith.constant 0 : i32
      %dma_start3A_375 = tpu.memref_slice %arg5[%rem3A_367, %dma_start3A_374] : memref<200x128xi32, #tpu.memory_space<vmem>> -> memref<1x128xi32, #tpu.memory_space<vmem>>
      %dma_start3A_376 = tpu.memref_squeeze %dma_start3A_375 : memref<1x128xi32, #tpu.memory_space<vmem>> -> memref<128xi32, #tpu.memory_space<vmem>>
      %dma_start3A_377 = arith.constant 0 : i32
      %dma_start3A_378 = arith.constant 0 : i32
      %dma_start3A_379 = tpu.memref_slice %arg3[%dma_start3A_377, %dma_start3A_378] : memref<100000x128xf32, #tpu.memory_space<hbm>> -> memref<100000x128xf32, #tpu.memory_space<hbm>>
      %dma_start3A_380 = tpu.memref_slice %arg7[%dma_start3A_369] : memref<4x!tpu.dma_semaphore, #tpu.memory_space<semaphore_mem>> -> memref<1x!tpu.dma_semaphore, #tpu.memory_space<semaphore_mem>>
      %dma_start3A_381 = tpu.memref_squeeze %dma_start3A_380 : memref<1x!tpu.dma_semaphore, #tpu.memory_space<semaphore_mem>> -> memref<!tpu.dma_semaphore, #tpu.memory_space<semaphore_mem>>
      tpu.enqueue_indirect_dma source(%dma_start3A_379 : memref<100000x128xf32, #tpu.memory_space<hbm>>) target(%dma_start3A_373 : memref<128x128xf32, #tpu.memory_space<vmem>>) offsets(%dma_start3A_376 : memref<128xi32, #tpu.memory_space<vmem>>) semaphore(%dma_start3A_381 : memref<!tpu.dma_semaphore, #tpu.memory_space<semaphore_mem>>)
      %dma_wait3A_382 = arith.constant 0 : i32
      %dma_wait3A_383 = arith.constant 0 : i32
      %dma_wait3A_384 = arith.constant 0 : i32
      %dma_wait3A_385 = arith.constant 0 : i32
      %dma_wait3A_386 = tpu.memref_slice %arg6[%dma_wait3A_382, %dma_wait3A_384, %dma_wait3A_385] : memref<4x128x128xf32, #tpu.memory_space<vmem>> -> memref<1x128x128xf32, #tpu.memory_space<vmem>>
      %dma_wait3A_387 = tpu.memref_squeeze %dma_wait3A_386 : memref<1x128x128xf32, #tpu.memory_space<vmem>> -> memref<128x128xf32, #tpu.memory_space<vmem>>
      %dma_wait3A_388 = arith.constant 0 : i32
      %dma_wait3A_389 = tpu.memref_slice %arg5[%add3A_343, %dma_wait3A_388] : memref<200x128xi32, #tpu.memory_space<vmem>> -> memref<1x128xi32, #tpu.memory_space<vmem>>
      %dma_wait3A_390 = tpu.memref_squeeze %dma_wait3A_389 : memref<1x128xi32, #tpu.memory_space<vmem>> -> memref<128xi32, #tpu.memory_space<vmem>>
      %dma_wait3A_391 = arith.constant 0 : i32
      %dma_wait3A_392 = arith.constant 0 : i32
      %dma_wait3A_393 = tpu.memref_slice %arg3[%dma_wait3A_391, %dma_wait3A_392] : memref<100000x128xf32, #tpu.memory_space<hbm>> -> memref<100000x128xf32, #tpu.memory_space<hbm>>
      %dma_wait3A_394 = tpu.memref_slice %arg7[%dma_wait3A_383] : memref<4x!tpu.dma_semaphore, #tpu.memory_space<semaphore_mem>> -> memref<1x!tpu.dma_semaphore, #tpu.memory_space<semaphore_mem>>
      %dma_wait3A_395 = tpu.memref_squeeze %dma_wait3A_394 : memref<1x!tpu.dma_semaphore, #tpu.memory_space<semaphore_mem>> -> memref<!tpu.dma_semaphore, #tpu.memory_space<semaphore_mem>>
      tpu.wait_indirect_dma semaphore(%dma_wait3A_395 : memref<!tpu.dma_semaphore, #tpu.memory_space<semaphore_mem>>) src(%dma_wait3A_393 : memref<100000x128xf32, #tpu.memory_space<hbm>>) dst(%dma_wait3A_387 : memref<128x128xf32, #tpu.memory_space<vmem>>)
      %mul3A_396 = arith.constant 128 : i32
      %mul3A_397 = arith.muli %add3A_343, %mul3A_396 : i32
      %add3A_398 = arith.addi %mul3A_2, %mul3A_397 : i32
      %dma_start3A_399 = arith.constant 0 : i32
      %dma_start3A_400 = arith.constant 0 : i32
      %dma_start3A_401 = arith.constant 0 : i32
      %dma_start3A_402 = arith.constant 0 : i32
      %dma_start3A_403 = tpu.memref_slice %arg6[%dma_start3A_399, %dma_start3A_401, %dma_start3A_402] : memref<4x128x128xf32, #tpu.memory_space<vmem>> -> memref<1x128x128xf32, #tpu.memory_space<vmem>>
      %dma_start3A_404 = tpu.memref_squeeze %dma_start3A_403 : memref<1x128x128xf32, #tpu.memory_space<vmem>> -> memref<128x128xf32, #tpu.memory_space<vmem>>
      %dma_start3A_405 = arith.constant 0 : i32
      %dma_start3A_406 = tpu.memref_slice %arg4[%add3A_398, %dma_start3A_405] : memref<819200x128xf32, #tpu.memory_space<hbm>> -> memref<128x128xf32, #tpu.memory_space<hbm>>
      %dma_start3A_407 = tpu.memref_slice %arg8[%dma_start3A_400] : memref<4x!tpu.dma_semaphore, #tpu.memory_space<semaphore_mem>> -> memref<1x!tpu.dma_semaphore, #tpu.memory_space<semaphore_mem>>
      %dma_start3A_408 = tpu.memref_squeeze %dma_start3A_407 : memref<1x!tpu.dma_semaphore, #tpu.memory_space<semaphore_mem>> -> memref<!tpu.dma_semaphore, #tpu.memory_space<semaphore_mem>>
      %dma_start3A_409 = arith.constant 0 : i32
      %dma_start3A_410 = tpu.memref_slice %arg4[%add3A_398, %dma_start3A_409] : memref<819200x128xf32, #tpu.memory_space<hbm>> -> memref<128x128xf32, #tpu.memory_space<hbm>>
      %dma_start3A_411 = arith.constant 0 : i32
      %dma_start3A_412 = arith.constant 0 : i32
      %dma_start3A_413 = tpu.memref_slice %arg6[%dma_start3A_399, %dma_start3A_411, %dma_start3A_412] : memref<4x128x128xf32, #tpu.memory_space<vmem>> -> memref<1x128x128xf32, #tpu.memory_space<vmem>>
      %dma_start3A_414 = tpu.memref_squeeze %dma_start3A_413 : memref<1x128x128xf32, #tpu.memory_space<vmem>> -> memref<128x128xf32, #tpu.memory_space<vmem>>
      tpu.enqueue_dma source(%dma_start3A_414 : memref<128x128xf32, #tpu.memory_space<vmem>>) target(%dma_start3A_410 : memref<128x128xf32, #tpu.memory_space<hbm>>) target_semaphore(%dma_start3A_408 : memref<!tpu.dma_semaphore, #tpu.memory_space<semaphore_mem>>)
      %mul3A_415 = arith.constant 4 : i32
      %mul3A_416 = arith.muli %scan3A_339, %mul3A_415 : i32
      %add3A_417 = arith.constant 1 : i32
      %add3A_418 = arith.addi %mul3A_416, %add3A_417 : i32
      %sub3A_419 = arith.constant 2 : i32
      %sub3A_420 = arith.subi %add3A_418, %sub3A_419 : i32
      %mul3A_421 = arith.constant 128 : i32
      %mul3A_422 = arith.muli %sub3A_420, %mul3A_421 : i32
      %add3A_423 = arith.addi %mul3A_2, %mul3A_422 : i32
      %dma_wait3A_424 = arith.constant 3 : i32
      %dma_wait3A_425 = arith.constant 3 : i32
      %dma_wait3A_426 = arith.constant 0 : i32
      %dma_wait3A_427 = arith.constant 0 : i32
      %dma_wait3A_428 = tpu.memref_slice %arg6[%dma_wait3A_424, %dma_wait3A_426, %dma_wait3A_427] : memref<4x128x128xf32, #tpu.memory_space<vmem>> -> memref<1x128x128xf32, #tpu.memory_space<vmem>>
      %dma_wait3A_429 = tpu.memref_squeeze %dma_wait3A_428 : memref<1x128x128xf32, #tpu.memory_space<vmem>> -> memref<128x128xf32, #tpu.memory_space<vmem>>
      %dma_wait3A_430 = arith.constant 0 : i32
      %dma_wait3A_431 = tpu.memref_slice %arg4[%add3A_423, %dma_wait3A_430] : memref<819200x128xf32, #tpu.memory_space<hbm>> -> memref<128x128xf32, #tpu.memory_space<hbm>>
      %dma_wait3A_432 = tpu.memref_slice %arg8[%dma_wait3A_425] : memref<4x!tpu.dma_semaphore, #tpu.memory_space<semaphore_mem>> -> memref<1x!tpu.dma_semaphore, #tpu.memory_space<semaphore_mem>>
      %dma_wait3A_433 = tpu.memref_squeeze %dma_wait3A_432 : memref<1x!tpu.dma_semaphore, #tpu.memory_space<semaphore_mem>> -> memref<!tpu.dma_semaphore, #tpu.memory_space<semaphore_mem>>
      %dma_wait3A_434 = arith.constant 0 : i32
      %dma_wait3A_435 = tpu.memref_slice %arg4[%add3A_423, %dma_wait3A_434] : memref<819200x128xf32, #tpu.memory_space<hbm>> -> memref<128x128xf32, #tpu.memory_space<hbm>>
      %dma_wait3A_436 = arith.constant 0 : i32
      %dma_wait3A_437 = arith.constant 0 : i32
      %dma_wait3A_438 = tpu.memref_slice %arg6[%dma_wait3A_424, %dma_wait3A_436, %dma_wait3A_437] : memref<4x128x128xf32, #tpu.memory_space<vmem>> -> memref<1x128x128xf32, #tpu.memory_space<vmem>>
      %dma_wait3A_439 = tpu.memref_squeeze %dma_wait3A_438 : memref<1x128x128xf32, #tpu.memory_space<vmem>> -> memref<128x128xf32, #tpu.memory_space<vmem>>
      tpu.wait_dma2 semaphore(%dma_wait3A_433 : memref<!tpu.dma_semaphore, #tpu.memory_space<semaphore_mem>>) src(%dma_wait3A_439 : memref<128x128xf32, #tpu.memory_space<vmem>>) dst(%dma_wait3A_435 : memref<128x128xf32, #tpu.memory_space<hbm>>)
      %add3A_440 = arith.constant 2 : i32
      %add3A_441 = arith.addi %add3A_418, %add3A_440 : i32
      %rem3A_442 = arith.constant 200 : i32
      %rem3A_443 = arith.remsi %add3A_441, %rem3A_442 : i32
      %dma_start3A_444 = arith.constant 3 : i32
      %dma_start3A_445 = arith.constant 3 : i32
      %dma_start3A_446 = arith.constant 0 : i32
      %dma_start3A_447 = arith.constant 0 : i32
      %dma_start3A_448 = tpu.memref_slice %arg6[%dma_start3A_444, %dma_start3A_446, %dma_start3A_447] : memref<4x128x128xf32, #tpu.memory_space<vmem>> -> memref<1x128x128xf32, #tpu.memory_space<vmem>>
      %dma_start3A_449 = tpu.memref_squeeze %dma_start3A_448 : memref<1x128x128xf32, #tpu.memory_space<vmem>> -> memref<128x128xf32, #tpu.memory_space<vmem>>
      %dma_start3A_450 = arith.constant 0 : i32
      %dma_start3A_451 = tpu.memref_slice %arg5[%rem3A_443, %dma_start3A_450] : memref<200x128xi32, #tpu.memory_space<vmem>> -> memref<1x128xi32, #tpu.memory_space<vmem>>
      %dma_start3A_452 = tpu.memref_squeeze %dma_start3A_451 : memref<1x128xi32, #tpu.memory_space<vmem>> -> memref<128xi32, #tpu.memory_space<vmem>>
      %dma_start3A_453 = arith.constant 0 : i32
      %dma_start3A_454 = arith.constant 0 : i32
      %dma_start3A_455 = tpu.memref_slice %arg3[%dma_start3A_453, %dma_start3A_454] : memref<100000x128xf32, #tpu.memory_space<hbm>> -> memref<100000x128xf32, #tpu.memory_space<hbm>>
      %dma_start3A_456 = tpu.memref_slice %arg7[%dma_start3A_445] : memref<4x!tpu.dma_semaphore, #tpu.memory_space<semaphore_mem>> -> memref<1x!tpu.dma_semaphore, #tpu.memory_space<semaphore_mem>>
      %dma_start3A_457 = tpu.memref_squeeze %dma_start3A_456 : memref<1x!tpu.dma_semaphore, #tpu.memory_space<semaphore_mem>> -> memref<!tpu.dma_semaphore, #tpu.memory_space<semaphore_mem>>
      tpu.enqueue_indirect_dma source(%dma_start3A_455 : memref<100000x128xf32, #tpu.memory_space<hbm>>) target(%dma_start3A_449 : memref<128x128xf32, #tpu.memory_space<vmem>>) offsets(%dma_start3A_452 : memref<128xi32, #tpu.memory_space<vmem>>) semaphore(%dma_start3A_457 : memref<!tpu.dma_semaphore, #tpu.memory_space<semaphore_mem>>)
      %dma_wait3A_458 = arith.constant 1 : i32
      %dma_wait3A_459 = arith.constant 1 : i32
      %dma_wait3A_460 = arith.constant 0 : i32
      %dma_wait3A_461 = arith.constant 0 : i32
      %dma_wait3A_462 = tpu.memref_slice %arg6[%dma_wait3A_458, %dma_wait3A_460, %dma_wait3A_461] : memref<4x128x128xf32, #tpu.memory_space<vmem>> -> memref<1x128x128xf32, #tpu.memory_space<vmem>>
      %dma_wait3A_463 = tpu.memref_squeeze %dma_wait3A_462 : memref<1x128x128xf32, #tpu.memory_space<vmem>> -> memref<128x128xf32, #tpu.memory_space<vmem>>
      %dma_wait3A_464 = arith.constant 0 : i32
      %dma_wait3A_465 = tpu.memref_slice %arg5[%add3A_418, %dma_wait3A_464] : memref<200x128xi32, #tpu.memory_space<vmem>> -> memref<1x128xi32, #tpu.memory_space<vmem>>
      %dma_wait3A_466 = tpu.memref_squeeze %dma_wait3A_465 : memref<1x128xi32, #tpu.memory_space<vmem>> -> memref<128xi32, #tpu.memory_space<vmem>>
      %dma_wait3A_467 = arith.constant 0 : i32
      %dma_wait3A_468 = arith.constant 0 : i32
      %dma_wait3A_469 = tpu.memref_slice %arg3[%dma_wait3A_467, %dma_wait3A_468] : memref<100000x128xf32, #tpu.memory_space<hbm>> -> memref<100000x128xf32, #tpu.memory_space<hbm>>
      %dma_wait3A_470 = tpu.memref_slice %arg7[%dma_wait3A_459] : memref<4x!tpu.dma_semaphore, #tpu.memory_space<semaphore_mem>> -> memref<1x!tpu.dma_semaphore, #tpu.memory_space<semaphore_mem>>
      %dma_wait3A_471 = tpu.memref_squeeze %dma_wait3A_470 : memref<1x!tpu.dma_semaphore, #tpu.memory_space<semaphore_mem>> -> memref<!tpu.dma_semaphore, #tpu.memory_space<semaphore_mem>>
      tpu.wait_indirect_dma semaphore(%dma_wait3A_471 : memref<!tpu.dma_semaphore, #tpu.memory_space<semaphore_mem>>) src(%dma_wait3A_469 : memref<100000x128xf32, #tpu.memory_space<hbm>>) dst(%dma_wait3A_463 : memref<128x128xf32, #tpu.memory_space<vmem>>)
      %mul3A_472 = arith.constant 128 : i32
      %mul3A_473 = arith.muli %add3A_418, %mul3A_472 : i32
      %add3A_474 = arith.addi %mul3A_2, %mul3A_473 : i32
      %dma_start3A_475 = arith.constant 1 : i32
      %dma_start3A_476 = arith.constant 1 : i32
      %dma_start3A_477 = arith.constant 0 : i32
      %dma_start3A_478 = arith.constant 0 : i32
      %dma_start3A_479 = tpu.memref_slice %arg6[%dma_start3A_475, %dma_start3A_477, %dma_start3A_478] : memref<4x128x128xf32, #tpu.memory_space<vmem>> -> memref<1x128x128xf32, #tpu.memory_space<vmem>>
      %dma_start3A_480 = tpu.memref_squeeze %dma_start3A_479 : memref<1x128x128xf32, #tpu.memory_space<vmem>> -> memref<128x128xf32, #tpu.memory_space<vmem>>
      %dma_start3A_481 = arith.constant 0 : i32
      %dma_start3A_482 = tpu.memref_slice %arg4[%add3A_474, %dma_start3A_481] : memref<819200x128xf32, #tpu.memory_space<hbm>> -> memref<128x128xf32, #tpu.memory_space<hbm>>
      %dma_start3A_483 = tpu.memref_slice %arg8[%dma_start3A_476] : memref<4x!tpu.dma_semaphore, #tpu.memory_space<semaphore_mem>> -> memref<1x!tpu.dma_semaphore, #tpu.memory_space<semaphore_mem>>
      %dma_start3A_484 = tpu.memref_squeeze %dma_start3A_483 : memref<1x!tpu.dma_semaphore, #tpu.memory_space<semaphore_mem>> -> memref<!tpu.dma_semaphore, #tpu.memory_space<semaphore_mem>>
      %dma_start3A_485 = arith.constant 0 : i32
      %dma_start3A_486 = tpu.memref_slice %arg4[%add3A_474, %dma_start3A_485] : memref<819200x128xf32, #tpu.memory_space<hbm>> -> memref<128x128xf32, #tpu.memory_space<hbm>>
      %dma_start3A_487 = arith.constant 0 : i32
      %dma_start3A_488 = arith.constant 0 : i32
      %dma_start3A_489 = tpu.memref_slice %arg6[%dma_start3A_475, %dma_start3A_487, %dma_start3A_488] : memref<4x128x128xf32, #tpu.memory_space<vmem>> -> memref<1x128x128xf32, #tpu.memory_space<vmem>>
      %dma_start3A_490 = tpu.memref_squeeze %dma_start3A_489 : memref<1x128x128xf32, #tpu.memory_space<vmem>> -> memref<128x128xf32, #tpu.memory_space<vmem>>
      tpu.enqueue_dma source(%dma_start3A_490 : memref<128x128xf32, #tpu.memory_space<vmem>>) target(%dma_start3A_486 : memref<128x128xf32, #tpu.memory_space<hbm>>) target_semaphore(%dma_start3A_484 : memref<!tpu.dma_semaphore, #tpu.memory_space<semaphore_mem>>)
      %mul3A_491 = arith.constant 4 : i32
      %mul3A_492 = arith.muli %scan3A_339, %mul3A_491 : i32
      %add3A_493 = arith.constant 2 : i32
      %add3A_494 = arith.addi %mul3A_492, %add3A_493 : i32
      %sub3A_495 = arith.constant 2 : i32
      %sub3A_496 = arith.subi %add3A_494, %sub3A_495 : i32
      %mul3A_497 = arith.constant 128 : i32
      %mul3A_498 = arith.muli %sub3A_496, %mul3A_497 : i32
      %add3A_499 = arith.addi %mul3A_2, %mul3A_498 : i32
      %dma_wait3A_500 = arith.constant 0 : i32
      %dma_wait3A_501 = arith.constant 0 : i32
      %dma_wait3A_502 = arith.constant 0 : i32
      %dma_wait3A_503 = arith.constant 0 : i32
      %dma_wait3A_504 = tpu.memref_slice %arg6[%dma_wait3A_500, %dma_wait3A_502, %dma_wait3A_503] : memref<4x128x128xf32, #tpu.memory_space<vmem>> -> memref<1x128x128xf32, #tpu.memory_space<vmem>>
      %dma_wait3A_505 = tpu.memref_squeeze %dma_wait3A_504 : memref<1x128x128xf32, #tpu.memory_space<vmem>> -> memref<128x128xf32, #tpu.memory_space<vmem>>
      %dma_wait3A_506 = arith.constant 0 : i32
      %dma_wait3A_507 = tpu.memref_slice %arg4[%add3A_499, %dma_wait3A_506] : memref<819200x128xf32, #tpu.memory_space<hbm>> -> memref<128x128xf32, #tpu.memory_space<hbm>>
      %dma_wait3A_508 = tpu.memref_slice %arg8[%dma_wait3A_501] : memref<4x!tpu.dma_semaphore, #tpu.memory_space<semaphore_mem>> -> memref<1x!tpu.dma_semaphore, #tpu.memory_space<semaphore_mem>>
      %dma_wait3A_509 = tpu.memref_squeeze %dma_wait3A_508 : memref<1x!tpu.dma_semaphore, #tpu.memory_space<semaphore_mem>> -> memref<!tpu.dma_semaphore, #tpu.memory_space<semaphore_mem>>
      %dma_wait3A_510 = arith.constant 0 : i32
      %dma_wait3A_511 = tpu.memref_slice %arg4[%add3A_499, %dma_wait3A_510] : memref<819200x128xf32, #tpu.memory_space<hbm>> -> memref<128x128xf32, #tpu.memory_space<hbm>>
      %dma_wait3A_512 = arith.constant 0 : i32
      %dma_wait3A_513 = arith.constant 0 : i32
      %dma_wait3A_514 = tpu.memref_slice %arg6[%dma_wait3A_500, %dma_wait3A_512, %dma_wait3A_513] : memref<4x128x128xf32, #tpu.memory_space<vmem>> -> memref<1x128x128xf32, #tpu.memory_space<vmem>>
      %dma_wait3A_515 = tpu.memref_squeeze %dma_wait3A_514 : memref<1x128x128xf32, #tpu.memory_space<vmem>> -> memref<128x128xf32, #tpu.memory_space<vmem>>
      tpu.wait_dma2 semaphore(%dma_wait3A_509 : memref<!tpu.dma_semaphore, #tpu.memory_space<semaphore_mem>>) src(%dma_wait3A_515 : memref<128x128xf32, #tpu.memory_space<vmem>>) dst(%dma_wait3A_511 : memref<128x128xf32, #tpu.memory_space<hbm>>)
      %add3A_516 = arith.constant 2 : i32
      %add3A_517 = arith.addi %add3A_494, %add3A_516 : i32
      %rem3A_518 = arith.constant 200 : i32
      %rem3A_519 = arith.remsi %add3A_517, %rem3A_518 : i32
      %dma_start3A_520 = arith.constant 0 : i32
      %dma_start3A_521 = arith.constant 0 : i32
      %dma_start3A_522 = arith.constant 0 : i32
      %dma_start3A_523 = arith.constant 0 : i32
      %dma_start3A_524 = tpu.memref_slice %arg6[%dma_start3A_520, %dma_start3A_522, %dma_start3A_523] : memref<4x128x128xf32, #tpu.memory_space<vmem>> -> memref<1x128x128xf32, #tpu.memory_space<vmem>>
      %dma_start3A_525 = tpu.memref_squeeze %dma_start3A_524 : memref<1x128x128xf32, #tpu.memory_space<vmem>> -> memref<128x128xf32, #tpu.memory_space<vmem>>
      %dma_start3A_526 = arith.constant 0 : i32
      %dma_start3A_527 = tpu.memref_slice %arg5[%rem3A_519, %dma_start3A_526] : memref<200x128xi32, #tpu.memory_space<vmem>> -> memref<1x128xi32, #tpu.memory_space<vmem>>
      %dma_start3A_528 = tpu.memref_squeeze %dma_start3A_527 : memref<1x128xi32, #tpu.memory_space<vmem>> -> memref<128xi32, #tpu.memory_space<vmem>>
      %dma_start3A_529 = arith.constant 0 : i32
      %dma_start3A_530 = arith.constant 0 : i32
      %dma_start3A_531 = tpu.memref_slice %arg3[%dma_start3A_529, %dma_start3A_530] : memref<100000x128xf32, #tpu.memory_space<hbm>> -> memref<100000x128xf32, #tpu.memory_space<hbm>>
      %dma_start3A_532 = tpu.memref_slice %arg7[%dma_start3A_521] : memref<4x!tpu.dma_semaphore, #tpu.memory_space<semaphore_mem>> -> memref<1x!tpu.dma_semaphore, #tpu.memory_space<semaphore_mem>>
      %dma_start3A_533 = tpu.memref_squeeze %dma_start3A_532 : memref<1x!tpu.dma_semaphore, #tpu.memory_space<semaphore_mem>> -> memref<!tpu.dma_semaphore, #tpu.memory_space<semaphore_mem>>
      tpu.enqueue_indirect_dma source(%dma_start3A_531 : memref<100000x128xf32, #tpu.memory_space<hbm>>) target(%dma_start3A_525 : memref<128x128xf32, #tpu.memory_space<vmem>>) offsets(%dma_start3A_528 : memref<128xi32, #tpu.memory_space<vmem>>) semaphore(%dma_start3A_533 : memref<!tpu.dma_semaphore, #tpu.memory_space<semaphore_mem>>)
      %dma_wait3A_534 = arith.constant 2 : i32
      %dma_wait3A_535 = arith.constant 2 : i32
      %dma_wait3A_536 = arith.constant 0 : i32
      %dma_wait3A_537 = arith.constant 0 : i32
      %dma_wait3A_538 = tpu.memref_slice %arg6[%dma_wait3A_534, %dma_wait3A_536, %dma_wait3A_537] : memref<4x128x128xf32, #tpu.memory_space<vmem>> -> memref<1x128x128xf32, #tpu.memory_space<vmem>>
      %dma_wait3A_539 = tpu.memref_squeeze %dma_wait3A_538 : memref<1x128x128xf32, #tpu.memory_space<vmem>> -> memref<128x128xf32, #tpu.memory_space<vmem>>
      %dma_wait3A_540 = arith.constant 0 : i32
      %dma_wait3A_541 = tpu.memref_slice %arg5[%add3A_494, %dma_wait3A_540] : memref<200x128xi32, #tpu.memory_space<vmem>> -> memref<1x128xi32, #tpu.memory_space<vmem>>
      %dma_wait3A_542 = tpu.memref_squeeze %dma_wait3A_541 : memref<1x128xi32, #tpu.memory_space<vmem>> -> memref<128xi32, #tpu.memory_space<vmem>>
      %dma_wait3A_543 = arith.constant 0 : i32
      %dma_wait3A_544 = arith.constant 0 : i32
      %dma_wait3A_545 = tpu.memref_slice %arg3[%dma_wait3A_543, %dma_wait3A_544] : memref<100000x128xf32, #tpu.memory_space<hbm>> -> memref<100000x128xf32, #tpu.memory_space<hbm>>
      %dma_wait3A_546 = tpu.memref_slice %arg7[%dma_wait3A_535] : memref<4x!tpu.dma_semaphore, #tpu.memory_space<semaphore_mem>> -> memref<1x!tpu.dma_semaphore, #tpu.memory_space<semaphore_mem>>
      %dma_wait3A_547 = tpu.memref_squeeze %dma_wait3A_546 : memref<1x!tpu.dma_semaphore, #tpu.memory_space<semaphore_mem>> -> memref<!tpu.dma_semaphore, #tpu.memory_space<semaphore_mem>>
      tpu.wait_indirect_dma semaphore(%dma_wait3A_547 : memref<!tpu.dma_semaphore, #tpu.memory_space<semaphore_mem>>) src(%dma_wait3A_545 : memref<100000x128xf32, #tpu.memory_space<hbm>>) dst(%dma_wait3A_539 : memref<128x128xf32, #tpu.memory_space<vmem>>)
      %mul3A_548 = arith.constant 128 : i32
      %mul3A_549 = arith.muli %add3A_494, %mul3A_548 : i32
      %add3A_550 = arith.addi %mul3A_2, %mul3A_549 : i32
      %dma_start3A_551 = arith.constant 2 : i32
      %dma_start3A_552 = arith.constant 2 : i32
      %dma_start3A_553 = arith.constant 0 : i32
      %dma_start3A_554 = arith.constant 0 : i32
      %dma_start3A_555 = tpu.memref_slice %arg6[%dma_start3A_551, %dma_start3A_553, %dma_start3A_554] : memref<4x128x128xf32, #tpu.memory_space<vmem>> -> memref<1x128x128xf32, #tpu.memory_space<vmem>>
      %dma_start3A_556 = tpu.memref_squeeze %dma_start3A_555 : memref<1x128x128xf32, #tpu.memory_space<vmem>> -> memref<128x128xf32, #tpu.memory_space<vmem>>
      %dma_start3A_557 = arith.constant 0 : i32
      %dma_start3A_558 = tpu.memref_slice %arg4[%add3A_550, %dma_start3A_557] : memref<819200x128xf32, #tpu.memory_space<hbm>> -> memref<128x128xf32, #tpu.memory_space<hbm>>
      %dma_start3A_559 = tpu.memref_slice %arg8[%dma_start3A_552] : memref<4x!tpu.dma_semaphore, #tpu.memory_space<semaphore_mem>> -> memref<1x!tpu.dma_semaphore, #tpu.memory_space<semaphore_mem>>
      %dma_start3A_560 = tpu.memref_squeeze %dma_start3A_559 : memref<1x!tpu.dma_semaphore, #tpu.memory_space<semaphore_mem>> -> memref<!tpu.dma_semaphore, #tpu.memory_space<semaphore_mem>>
      %dma_start3A_561 = arith.constant 0 : i32
      %dma_start3A_562 = tpu.memref_slice %arg4[%add3A_550, %dma_start3A_561] : memref<819200x128xf32, #tpu.memory_space<hbm>> -> memref<128x128xf32, #tpu.memory_space<hbm>>
      %dma_start3A_563 = arith.constant 0 : i32
      %dma_start3A_564 = arith.constant 0 : i32
      %dma_start3A_565 = tpu.memref_slice %arg6[%dma_start3A_551, %dma_start3A_563, %dma_start3A_564] : memref<4x128x128xf32, #tpu.memory_space<vmem>> -> memref<1x128x128xf32, #tpu.memory_space<vmem>>
      %dma_start3A_566 = tpu.memref_squeeze %dma_start3A_565 : memref<1x128x128xf32, #tpu.memory_space<vmem>> -> memref<128x128xf32, #tpu.memory_space<vmem>>
      tpu.enqueue_dma source(%dma_start3A_566 : memref<128x128xf32, #tpu.memory_space<vmem>>) target(%dma_start3A_562 : memref<128x128xf32, #tpu.memory_space<hbm>>) target_semaphore(%dma_start3A_560 : memref<!tpu.dma_semaphore, #tpu.memory_space<semaphore_mem>>)
      %mul3A_567 = arith.constant 4 : i32
      %mul3A_568 = arith.muli %scan3A_339, %mul3A_567 : i32
      %add3A_569 = arith.constant 3 : i32
      %add3A_570 = arith.addi %mul3A_568, %add3A_569 : i32
      %sub3A_571 = arith.constant 2 : i32
      %sub3A_572 = arith.subi %add3A_570, %sub3A_571 : i32
      %mul3A_573 = arith.constant 128 : i32
      %mul3A_574 = arith.muli %sub3A_572, %mul3A_573 : i32
      %add3A_575 = arith.addi %mul3A_2, %mul3A_574 : i32
      %dma_wait3A_576 = arith.constant 1 : i32
      %dma_wait3A_577 = arith.constant 1 : i32
      %dma_wait3A_578 = arith.constant 0 : i32
      %dma_wait3A_579 = arith.constant 0 : i32
      %dma_wait3A_580 = tpu.memref_slice %arg6[%dma_wait3A_576, %dma_wait3A_578, %dma_wait3A_579] : memref<4x128x128xf32, #tpu.memory_space<vmem>> -> memref<1x128x128xf32, #tpu.memory_space<vmem>>
      %dma_wait3A_581 = tpu.memref_squeeze %dma_wait3A_580 : memref<1x128x128xf32, #tpu.memory_space<vmem>> -> memref<128x128xf32, #tpu.memory_space<vmem>>
      %dma_wait3A_582 = arith.constant 0 : i32
      %dma_wait3A_583 = tpu.memref_slice %arg4[%add3A_575, %dma_wait3A_582] : memref<819200x128xf32, #tpu.memory_space<hbm>> -> memref<128x128xf32, #tpu.memory_space<hbm>>
      %dma_wait3A_584 = tpu.memref_slice %arg8[%dma_wait3A_577] : memref<4x!tpu.dma_semaphore, #tpu.memory_space<semaphore_mem>> -> memref<1x!tpu.dma_semaphore, #tpu.memory_space<semaphore_mem>>
      %dma_wait3A_585 = tpu.memref_squeeze %dma_wait3A_584 : memref<1x!tpu.dma_semaphore, #tpu.memory_space<semaphore_mem>> -> memref<!tpu.dma_semaphore, #tpu.memory_space<semaphore_mem>>
      %dma_wait3A_586 = arith.constant 0 : i32
      %dma_wait3A_587 = tpu.memref_slice %arg4[%add3A_575, %dma_wait3A_586] : memref<819200x128xf32, #tpu.memory_space<hbm>> -> memref<128x128xf32, #tpu.memory_space<hbm>>
      %dma_wait3A_588 = arith.constant 0 : i32
      %dma_wait3A_589 = arith.constant 0 : i32
      %dma_wait3A_590 = tpu.memref_slice %arg6[%dma_wait3A_576, %dma_wait3A_588, %dma_wait3A_589] : memref<4x128x128xf32, #tpu.memory_space<vmem>> -> memref<1x128x128xf32, #tpu.memory_space<vmem>>
      %dma_wait3A_591 = tpu.memref_squeeze %dma_wait3A_590 : memref<1x128x128xf32, #tpu.memory_space<vmem>> -> memref<128x128xf32, #tpu.memory_space<vmem>>
      tpu.wait_dma2 semaphore(%dma_wait3A_585 : memref<!tpu.dma_semaphore, #tpu.memory_space<semaphore_mem>>) src(%dma_wait3A_591 : memref<128x128xf32, #tpu.memory_space<vmem>>) dst(%dma_wait3A_587 : memref<128x128xf32, #tpu.memory_space<hbm>>)
      %add3A_592 = arith.constant 2 : i32
      %add3A_593 = arith.addi %add3A_570, %add3A_592 : i32
      %rem3A_594 = arith.constant 200 : i32
      %rem3A_595 = arith.remsi %add3A_593, %rem3A_594 : i32
      %dma_start3A_596 = arith.constant 1 : i32
      %dma_start3A_597 = arith.constant 1 : i32
      %dma_start3A_598 = arith.constant 0 : i32
      %dma_start3A_599 = arith.constant 0 : i32
      %dma_start3A_600 = tpu.memref_slice %arg6[%dma_start3A_596, %dma_start3A_598, %dma_start3A_599] : memref<4x128x128xf32, #tpu.memory_space<vmem>> -> memref<1x128x128xf32, #tpu.memory_space<vmem>>
      %dma_start3A_601 = tpu.memref_squeeze %dma_start3A_600 : memref<1x128x128xf32, #tpu.memory_space<vmem>> -> memref<128x128xf32, #tpu.memory_space<vmem>>
      %dma_start3A_602 = arith.constant 0 : i32
      %dma_start3A_603 = tpu.memref_slice %arg5[%rem3A_595, %dma_start3A_602] : memref<200x128xi32, #tpu.memory_space<vmem>> -> memref<1x128xi32, #tpu.memory_space<vmem>>
      %dma_start3A_604 = tpu.memref_squeeze %dma_start3A_603 : memref<1x128xi32, #tpu.memory_space<vmem>> -> memref<128xi32, #tpu.memory_space<vmem>>
      %dma_start3A_605 = arith.constant 0 : i32
      %dma_start3A_606 = arith.constant 0 : i32
      %dma_start3A_607 = tpu.memref_slice %arg3[%dma_start3A_605, %dma_start3A_606] : memref<100000x128xf32, #tpu.memory_space<hbm>> -> memref<100000x128xf32, #tpu.memory_space<hbm>>
      %dma_start3A_608 = tpu.memref_slice %arg7[%dma_start3A_597] : memref<4x!tpu.dma_semaphore, #tpu.memory_space<semaphore_mem>> -> memref<1x!tpu.dma_semaphore, #tpu.memory_space<semaphore_mem>>
      %dma_start3A_609 = tpu.memref_squeeze %dma_start3A_608 : memref<1x!tpu.dma_semaphore, #tpu.memory_space<semaphore_mem>> -> memref<!tpu.dma_semaphore, #tpu.memory_space<semaphore_mem>>
      tpu.enqueue_indirect_dma source(%dma_start3A_607 : memref<100000x128xf32, #tpu.memory_space<hbm>>) target(%dma_start3A_601 : memref<128x128xf32, #tpu.memory_space<vmem>>) offsets(%dma_start3A_604 : memref<128xi32, #tpu.memory_space<vmem>>) semaphore(%dma_start3A_609 : memref<!tpu.dma_semaphore, #tpu.memory_space<semaphore_mem>>)
      %dma_wait3A_610 = arith.constant 3 : i32
      %dma_wait3A_611 = arith.constant 3 : i32
      %dma_wait3A_612 = arith.constant 0 : i32
      %dma_wait3A_613 = arith.constant 0 : i32
      %dma_wait3A_614 = tpu.memref_slice %arg6[%dma_wait3A_610, %dma_wait3A_612, %dma_wait3A_613] : memref<4x128x128xf32, #tpu.memory_space<vmem>> -> memref<1x128x128xf32, #tpu.memory_space<vmem>>
      %dma_wait3A_615 = tpu.memref_squeeze %dma_wait3A_614 : memref<1x128x128xf32, #tpu.memory_space<vmem>> -> memref<128x128xf32, #tpu.memory_space<vmem>>
      %dma_wait3A_616 = arith.constant 0 : i32
      %dma_wait3A_617 = tpu.memref_slice %arg5[%add3A_570, %dma_wait3A_616] : memref<200x128xi32, #tpu.memory_space<vmem>> -> memref<1x128xi32, #tpu.memory_space<vmem>>
      %dma_wait3A_618 = tpu.memref_squeeze %dma_wait3A_617 : memref<1x128xi32, #tpu.memory_space<vmem>> -> memref<128xi32, #tpu.memory_space<vmem>>
      %dma_wait3A_619 = arith.constant 0 : i32
      %dma_wait3A_620 = arith.constant 0 : i32
      %dma_wait3A_621 = tpu.memref_slice %arg3[%dma_wait3A_619, %dma_wait3A_620] : memref<100000x128xf32, #tpu.memory_space<hbm>> -> memref<100000x128xf32, #tpu.memory_space<hbm>>
      %dma_wait3A_622 = tpu.memref_slice %arg7[%dma_wait3A_611] : memref<4x!tpu.dma_semaphore, #tpu.memory_space<semaphore_mem>> -> memref<1x!tpu.dma_semaphore, #tpu.memory_space<semaphore_mem>>
      %dma_wait3A_623 = tpu.memref_squeeze %dma_wait3A_622 : memref<1x!tpu.dma_semaphore, #tpu.memory_space<semaphore_mem>> -> memref<!tpu.dma_semaphore, #tpu.memory_space<semaphore_mem>>
      tpu.wait_indirect_dma semaphore(%dma_wait3A_623 : memref<!tpu.dma_semaphore, #tpu.memory_space<semaphore_mem>>) src(%dma_wait3A_621 : memref<100000x128xf32, #tpu.memory_space<hbm>>) dst(%dma_wait3A_615 : memref<128x128xf32, #tpu.memory_space<vmem>>)
      %mul3A_624 = arith.constant 128 : i32
      %mul3A_625 = arith.muli %add3A_570, %mul3A_624 : i32
      %add3A_626 = arith.addi %mul3A_2, %mul3A_625 : i32
      %dma_start3A_627 = arith.constant 3 : i32
      %dma_start3A_628 = arith.constant 3 : i32
      %dma_start3A_629 = arith.constant 0 : i32
      %dma_start3A_630 = arith.constant 0 : i32
      %dma_start3A_631 = tpu.memref_slice %arg6[%dma_start3A_627, %dma_start3A_629, %dma_start3A_630] : memref<4x128x128xf32, #tpu.memory_space<vmem>> -> memref<1x128x128xf32, #tpu.memory_space<vmem>>
      %dma_start3A_632 = tpu.memref_squeeze %dma_start3A_631 : memref<1x128x128xf32, #tpu.memory_space<vmem>> -> memref<128x128xf32, #tpu.memory_space<vmem>>
      %dma_start3A_633 = arith.constant 0 : i32
      %dma_start3A_634 = tpu.memref_slice %arg4[%add3A_626, %dma_start3A_633] : memref<819200x128xf32, #tpu.memory_space<hbm>> -> memref<128x128xf32, #tpu.memory_space<hbm>>
      %dma_start3A_635 = tpu.memref_slice %arg8[%dma_start3A_628] : memref<4x!tpu.dma_semaphore, #tpu.memory_space<semaphore_mem>> -> memref<1x!tpu.dma_semaphore, #tpu.memory_space<semaphore_mem>>
      %dma_start3A_636 = tpu.memref_squeeze %dma_start3A_635 : memref<1x!tpu.dma_semaphore, #tpu.memory_space<semaphore_mem>> -> memref<!tpu.dma_semaphore, #tpu.memory_space<semaphore_mem>>
      %dma_start3A_637 = arith.constant 0 : i32
      %dma_start3A_638 = tpu.memref_slice %arg4[%add3A_626, %dma_start3A_637] : memref<819200x128xf32, #tpu.memory_space<hbm>> -> memref<128x128xf32, #tpu.memory_space<hbm>>
      %dma_start3A_639 = arith.constant 0 : i32
      %dma_start3A_640 = arith.constant 0 : i32
      %dma_start3A_641 = tpu.memref_slice %arg6[%dma_start3A_627, %dma_start3A_639, %dma_start3A_640] : memref<4x128x128xf32, #tpu.memory_space<vmem>> -> memref<1x128x128xf32, #tpu.memory_space<vmem>>
      %dma_start3A_642 = tpu.memref_squeeze %dma_start3A_641 : memref<1x128x128xf32, #tpu.memory_space<vmem>> -> memref<128x128xf32, #tpu.memory_space<vmem>>
      tpu.enqueue_dma source(%dma_start3A_642 : memref<128x128xf32, #tpu.memory_space<vmem>>) target(%dma_start3A_638 : memref<128x128xf32, #tpu.memory_space<hbm>>) target_semaphore(%dma_start3A_636 : memref<!tpu.dma_semaphore, #tpu.memory_space<semaphore_mem>>)
    }
    %scan3A_272 = arith.constant 49 : i32
    %add3A_273 = arith.constant 25344 : i32
    %add3A_274 = arith.addi %mul3A_2, %add3A_273 : i32
    %dma_wait3A_275 = arith.constant 2 : i32
    %dma_wait3A_276 = arith.constant 2 : i32
    %dma_wait3A_277 = arith.constant 0 : i32
    %dma_wait3A_278 = arith.constant 0 : i32
    %dma_wait3A_279 = tpu.memref_slice %arg6[%dma_wait3A_275, %dma_wait3A_277, %dma_wait3A_278] : memref<4x128x128xf32, #tpu.memory_space<vmem>> -> memref<1x128x128xf32, #tpu.memory_space<vmem>>
    %dma_wait3A_280 = tpu.memref_squeeze %dma_wait3A_279 : memref<1x128x128xf32, #tpu.memory_space<vmem>> -> memref<128x128xf32, #tpu.memory_space<vmem>>
    %dma_wait3A_281 = arith.constant 0 : i32
    %dma_wait3A_282 = tpu.memref_slice %arg4[%add3A_274, %dma_wait3A_281] : memref<819200x128xf32, #tpu.memory_space<hbm>> -> memref<128x128xf32, #tpu.memory_space<hbm>>
    %dma_wait3A_283 = tpu.memref_slice %arg8[%dma_wait3A_276] : memref<4x!tpu.dma_semaphore, #tpu.memory_space<semaphore_mem>> -> memref<1x!tpu.dma_semaphore, #tpu.memory_space<semaphore_mem>>
    %dma_wait3A_284 = tpu.memref_squeeze %dma_wait3A_283 : memref<1x!tpu.dma_semaphore, #tpu.memory_space<semaphore_mem>> -> memref<!tpu.dma_semaphore, #tpu.memory_space<semaphore_mem>>
    %dma_wait3A_285 = arith.constant 0 : i32
    %dma_wait3A_286 = tpu.memref_slice %arg4[%add3A_274, %dma_wait3A_285] : memref<819200x128xf32, #tpu.memory_space<hbm>> -> memref<128x128xf32, #tpu.memory_space<hbm>>
    %dma_wait3A_287 = arith.constant 0 : i32
    %dma_wait3A_288 = arith.constant 0 : i32
    %dma_wait3A_289 = tpu.memref_slice %arg6[%dma_wait3A_275, %dma_wait3A_287, %dma_wait3A_288] : memref<4x128x128xf32, #tpu.memory_space<vmem>> -> memref<1x128x128xf32, #tpu.memory_space<vmem>>
    %dma_wait3A_290 = tpu.memref_squeeze %dma_wait3A_289 : memref<1x128x128xf32, #tpu.memory_space<vmem>> -> memref<128x128xf32, #tpu.memory_space<vmem>>
    tpu.wait_dma2 semaphore(%dma_wait3A_284 : memref<!tpu.dma_semaphore, #tpu.memory_space<semaphore_mem>>) src(%dma_wait3A_290 : memref<128x128xf32, #tpu.memory_space<vmem>>) dst(%dma_wait3A_286 : memref<128x128xf32, #tpu.memory_space<hbm>>)
    %dma_wait3A_291 = arith.constant 0 : i32
    %dma_wait3A_292 = arith.constant 0 : i32
    %dma_wait3A_293 = arith.constant 0 : i32
    %dma_wait3A_294 = arith.constant 0 : i32
    %dma_wait3A_295 = arith.constant 0 : i32
    %dma_wait3A_296 = tpu.memref_slice %arg6[%dma_wait3A_292, %dma_wait3A_294, %dma_wait3A_295] : memref<4x128x128xf32, #tpu.memory_space<vmem>> -> memref<1x128x128xf32, #tpu.memory_space<vmem>>
    %dma_wait3A_297 = tpu.memref_squeeze %dma_wait3A_296 : memref<1x128x128xf32, #tpu.memory_space<vmem>> -> memref<128x128xf32, #tpu.memory_space<vmem>>
    %dma_wait3A_298 = arith.constant 0 : i32
    %dma_wait3A_299 = tpu.memref_slice %arg5[%dma_wait3A_291, %dma_wait3A_298] : memref<200x128xi32, #tpu.memory_space<vmem>> -> memref<1x128xi32, #tpu.memory_space<vmem>>
    %dma_wait3A_300 = tpu.memref_squeeze %dma_wait3A_299 : memref<1x128xi32, #tpu.memory_space<vmem>> -> memref<128xi32, #tpu.memory_space<vmem>>
    %dma_wait3A_301 = arith.constant 0 : i32
    %dma_wait3A_302 = arith.constant 0 : i32
    %dma_wait3A_303 = tpu.memref_slice %arg3[%dma_wait3A_301, %dma_wait3A_302] : memref<100000x128xf32, #tpu.memory_space<hbm>> -> memref<100000x128xf32, #tpu.memory_space<hbm>>
    %dma_wait3A_304 = tpu.memref_slice %arg7[%dma_wait3A_293] : memref<4x!tpu.dma_semaphore, #tpu.memory_space<semaphore_mem>> -> memref<1x!tpu.dma_semaphore, #tpu.memory_space<semaphore_mem>>
    %dma_wait3A_305 = tpu.memref_squeeze %dma_wait3A_304 : memref<1x!tpu.dma_semaphore, #tpu.memory_space<semaphore_mem>> -> memref<!tpu.dma_semaphore, #tpu.memory_space<semaphore_mem>>
    tpu.wait_indirect_dma semaphore(%dma_wait3A_305 : memref<!tpu.dma_semaphore, #tpu.memory_space<semaphore_mem>>) src(%dma_wait3A_303 : memref<100000x128xf32, #tpu.memory_space<hbm>>) dst(%dma_wait3A_297 : memref<128x128xf32, #tpu.memory_space<vmem>>)
    %add3A_306 = arith.constant 25472 : i32
    %add3A_307 = arith.addi %mul3A_2, %add3A_306 : i32
    %dma_wait3A_308 = arith.constant 3 : i32
    %dma_wait3A_309 = arith.constant 3 : i32
    %dma_wait3A_310 = arith.constant 0 : i32
    %dma_wait3A_311 = arith.constant 0 : i32
    %dma_wait3A_312 = tpu.memref_slice %arg6[%dma_wait3A_308, %dma_wait3A_310, %dma_wait3A_311] : memref<4x128x128xf32, #tpu.memory_space<vmem>> -> memref<1x128x128xf32, #tpu.memory_space<vmem>>
    %dma_wait3A_313 = tpu.memref_squeeze %dma_wait3A_312 : memref<1x128x128xf32, #tpu.memory_space<vmem>> -> memref<128x128xf32, #tpu.memory_space<vmem>>
    %dma_wait3A_314 = arith.constant 0 : i32
    %dma_wait3A_315 = tpu.memref_slice %arg4[%add3A_307, %dma_wait3A_314] : memref<819200x128xf32, #tpu.memory_space<hbm>> -> memref<128x128xf32, #tpu.memory_space<hbm>>
    %dma_wait3A_316 = tpu.memref_slice %arg8[%dma_wait3A_309] : memref<4x!tpu.dma_semaphore, #tpu.memory_space<semaphore_mem>> -> memref<1x!tpu.dma_semaphore, #tpu.memory_space<semaphore_mem>>
    %dma_wait3A_317 = tpu.memref_squeeze %dma_wait3A_316 : memref<1x!tpu.dma_semaphore, #tpu.memory_space<semaphore_mem>> -> memref<!tpu.dma_semaphore, #tpu.memory_space<semaphore_mem>>
    %dma_wait3A_318 = arith.constant 0 : i32
    %dma_wait3A_319 = tpu.memref_slice %arg4[%add3A_307, %dma_wait3A_318] : memref<819200x128xf32, #tpu.memory_space<hbm>> -> memref<128x128xf32, #tpu.memory_space<hbm>>
    %dma_wait3A_320 = arith.constant 0 : i32
    %dma_wait3A_321 = arith.constant 0 : i32
    %dma_wait3A_322 = tpu.memref_slice %arg6[%dma_wait3A_308, %dma_wait3A_320, %dma_wait3A_321] : memref<4x128x128xf32, #tpu.memory_space<vmem>> -> memref<1x128x128xf32, #tpu.memory_space<vmem>>
    %dma_wait3A_323 = tpu.memref_squeeze %dma_wait3A_322 : memref<1x128x128xf32, #tpu.memory_space<vmem>> -> memref<128x128xf32, #tpu.memory_space<vmem>>
    tpu.wait_dma2 semaphore(%dma_wait3A_317 : memref<!tpu.dma_semaphore, #tpu.memory_space<semaphore_mem>>) src(%dma_wait3A_323 : memref<128x128xf32, #tpu.memory_space<vmem>>) dst(%dma_wait3A_319 : memref<128x128xf32, #tpu.memory_space<hbm>>)
    %dma_wait3A_324 = arith.constant 1 : i32
    %dma_wait3A_325 = arith.constant 1 : i32
    %dma_wait3A_326 = arith.constant 1 : i32
    %dma_wait3A_327 = arith.constant 0 : i32
    %dma_wait3A_328 = arith.constant 0 : i32
    %dma_wait3A_329 = tpu.memref_slice %arg6[%dma_wait3A_325, %dma_wait3A_327, %dma_wait3A_328] : memref<4x128x128xf32, #tpu.memory_space<vmem>> -> memref<1x128x128xf32, #tpu.memory_space<vmem>>
    %dma_wait3A_330 = tpu.memref_squeeze %dma_wait3A_329 : memref<1x128x128xf32, #tpu.memory_space<vmem>> -> memref<128x128xf32, #tpu.memory_space<vmem>>
    %dma_wait3A_331 = arith.constant 0 : i32
    %dma_wait3A_332 = tpu.memref_slice %arg5[%dma_wait3A_324, %dma_wait3A_331] : memref<200x128xi32, #tpu.memory_space<vmem>> -> memref<1x128xi32, #tpu.memory_space<vmem>>
    %dma_wait3A_333 = tpu.memref_squeeze %dma_wait3A_332 : memref<1x128xi32, #tpu.memory_space<vmem>> -> memref<128xi32, #tpu.memory_space<vmem>>
    %dma_wait3A_334 = arith.constant 0 : i32
    %dma_wait3A_335 = arith.constant 0 : i32
    %dma_wait3A_336 = tpu.memref_slice %arg3[%dma_wait3A_334, %dma_wait3A_335] : memref<100000x128xf32, #tpu.memory_space<hbm>> -> memref<100000x128xf32, #tpu.memory_space<hbm>>
    %dma_wait3A_337 = tpu.memref_slice %arg7[%dma_wait3A_326] : memref<4x!tpu.dma_semaphore, #tpu.memory_space<semaphore_mem>> -> memref<1x!tpu.dma_semaphore, #tpu.memory_space<semaphore_mem>>
    %dma_wait3A_338 = tpu.memref_squeeze %dma_wait3A_337 : memref<1x!tpu.dma_semaphore, #tpu.memory_space<semaphore_mem>> -> memref<!tpu.dma_semaphore, #tpu.memory_space<semaphore_mem>>
    tpu.wait_indirect_dma semaphore(%dma_wait3A_338 : memref<!tpu.dma_semaphore, #tpu.memory_space<semaphore_mem>>) src(%dma_wait3A_336 : memref<100000x128xf32, #tpu.memory_space<hbm>>) dst(%dma_wait3A_330 : memref<128x128xf32, #tpu.memory_space<vmem>>)
    return
  }
}

</mosaic_0001>

<sc_bundles>
// kernel: kernel.3.cloned.1.call-start
scs
__scs_entry_jumppad:
0x0: {  	(pc) =	sbr.rel $0x88, $3  }
0x1: {  	(tag) =	ssettag $0x0;
	lr =	simm.s32 $0x1  }
0x2: {  	[smem:$0x3F9F] =	sst lr;
	_ =	strace $0xD0000000  }
0x3: {  	_ = 	snop  }
0x4: {  	_ = 	snop  }
0x5: {  	_ = 	snop  }
0x6: {  	_ = 	snop  }
0x7: {  	_ = 	snop  }
__scs_overlays_trampoline_lowered:
0x8: {  	[smem:$0x3FAE] =	sst s0  }
0x9: {  	[smem:$0x3FAF] =	sst s1  }
0xa: {  	[smem:$0x3FB0] =	sst s2  }
0xb: {  	[smem:$0x3FB1] =	sst s3  }
0xc: {  	[smem:$0x3FB2] =	sst s4  }
0xd: {  	[smem:$0x3FB3] =	sst s5  }
0xe: {  	[smem:$0x3FB4] =	sst s6  }
0xf: {  	[smem:$0x3FB5] =	sst s7  }
0x10: {  	[smem:$0x3FB6] =	sst s8  }
0x11: {  	[smem:$0x3FB7] =	sst s9;
	s0 =	simm.s32 @!p0 $0x0  }
0x12: {  	s1 =	sld [smem:$0x3F9D];
	s0 =	simm.s32 @p0 $0x1  }
0x13: {  	[smem:$0x3FB8] =	sst s0;
	s0 =	simm.s32 @!p1 $0x0  }
0x14: {  	s2 =	sld [smem:$0x3F9C];
	s0 =	simm.s32 @p1 $0x1  }
0x15: {  	[smem:$0x3FB9] =	sst s0;
	s0 =	simm.s32 @!p2 $0x0  }
0x16: {  	s3 =	sld [smem:$0x3FDB];
	s0 =	simm.s32 @p2 $0x1  }
0x17: {  	s4 =	simm.s32 $0x1BF5;
	[smem:$0x3FBB] =	sst s0  }
0x18: {  	s0 =	sld [smem:$0x3F9E];
	_ =	swait.ge [sflag:s4], $0x0  }
0x19: {  	s7 =	sld [smem:$0x3F9F]  }
0x1a: {  	s8 =	sadd.s32 $0xFFFFE003, lr  }
0x1b: {  	s9 =	sadd.s32 $0xFFFFFEF7, lr;
	s5 =	simm.s32 $0xFFFFFFFF;
	p2 =	slt.u32 s8, $0xFFFFF086  }
0x1c: {  	p1 =	slt.u32 s9, $0xF7A;
	s5 =	simm.s32 @!p2 $0x0  }
0x1d: {  	s5 =	simm.s32 @p1 $0x1;
	p0 =	seq.s32 s7, s2  }
0x1e: {  	s7 =	smul.u32 @!p0 $0xF7A, s2;
	p2 =	seq.s32 @!p0 s5, $0x0  }
0x1f: {  	s9 =	smul.u32 $0xF7A, s1;
	s8 =	simm.s32 @!p0 $0x1BF5;
	p2 =	por !p2, p0  }
0x20: {  	[sflag:s8] =	ssyncset.s32 @!p0 $0xFFFFF086;
	s6 =	sadd.s32 @!p0 s3, s7;
	s7 =	simm.s32 @!p0 $0x108  }
0x21: {  	s3 =	sadd.s32 s3, s9;
	s6 =	sadd.s32 @!p0 $0x88, s6;
	s7 =	simm.s32 @p2 $0x1082  }
0x22: {  	[simem:s7], [sflag:s8] =	dma.local @!p0 [hbm:s6], $0xF7A  }
0x23: {  	s9 =	sor.u32 $0xD0000000, s2;
	s6 =	simm.s32 $0x108;
	_ =	swait.ge @!p0 [sflag:s8], $0x0  }
0x24: {  	s3 =	sadd.s32 $0x88, s3;
	s6 =	simm.s32 @!p1 $0x1082;
	[sflag:s4] =	ssyncset.s32 $0xFFFFF086  }
0x25: {  	[simem:s6], [sflag:s4] =	dma.local [hbm:s3], $0xF7A  }
0x26: {  	[smem:$0x3F9F] =	sst s1;
	(tag) =	ssettag s2;
	_ =	strace s9  }
0x27: {  	s1 =	sld [smem:$0x3FAF]  }
0x28: {  	s2 =	sld [smem:$0x3FB0]  }
0x29: {  	s4 =	sld [smem:$0x3FB2]  }
0x2a: {  	p0 =	seq.s32 s5, $0x0;
	s5 =	sld [smem:$0x3FB3]  }
0x2b: {  	s6 =	sld [smem:$0x3FB4]  }
0x2c: {  	s7 =	sld [smem:$0x3FB5]  }
0x2d: {  	s3 =	simm.s32 $0x108;
	s8 =	sld [smem:$0x3FB6]  }
0x2e: {  	s3 =	simm.s32 @!p0 $0x1082;
	s9 =	sld [smem:$0x3FB7]  }
0x2f: {  	lr =	sadd.s32 s0, s3;
	s0 =	sld [smem:$0x3FAE]  }
0x30: {  	s3 =	sld [smem:$0x3FB1]  }
0x31: {  	[smem:$0x3FBA] =	sst s10  }
0x32: {  	s10 =	sld [smem:$0x3FB8];
	_ =	sdelay $0x3  }
0x33: {  	p0 =	seq.s32 s10, $0x1;
	s10 =	sld [smem:$0x3FBA];
	_ =	sdelay $0x3  }
0x34: {  	[smem:$0x3FBA] =	sst s10  }
0x35: {  	s10 =	sld [smem:$0x3FB9];
	_ =	sdelay $0x3  }
0x36: {  	p1 =	seq.s32 s10, $0x1;
	s10 =	sld [smem:$0x3FBA];
	_ =	sdelay $0x3  }
0x37: {  	[smem:$0x3FBA] =	sst s10  }
0x38: {  	s10 =	sld [smem:$0x3FBB]  }
0x39: {  	_ = 	snop;
	(pc) =	sbr.ind lr, $3  }
0x3a: {  	_ = 	snop  }
0x3b: {  	_ = 	snop  }
0x3c: {  	p2 =	seq.s32 s10, $0x1;
	s10 =	sld [smem:$0x3FBA]  }
0x3d: {  	_ =	shalt  }
0x3e: {  	_ =	shalt  }
0x3f: {  	_ =	shalt  }
0x40: {  	_ =	shalt  }
0x41: {  	_ =	shalt  }
0x42: {  	_ =	shalt  }
0x43: {  	_ =	shalt  }
0x44: {  	_ =	shalt  }
0x45: {  	_ =	shalt  }
0x46: {  	_ =	shalt  }
0x47: {  	_ =	shalt  }
0x48: {  	_ =	shalt  }
0x49: {  	_ =	shalt  }
0x4a: {  	_ =	shalt  }
0x4b: {  	_ =	shalt  }
0x4c: {  	_ =	shalt  }
0x4d: {  	_ =	shalt  }
0x4e: {  	_ =	shalt  }
0x4f: {  	_ =	shalt  }
0x50: {  	_ =	shalt  }
0x51: {  	_ =	shalt  }
0x52: {  	_ =	shalt  }
0x53: {  	_ =	shalt  }
0x54: {  	_ =	shalt  }
0x55: {  	_ =	shalt  }
0x56: {  	_ =	shalt  }
0x57: {  	_ =	shalt  }
0x58: {  	_ =	shalt  }
0x59: {  	_ =	shalt  }
0x5a: {  	_ =	shalt  }
0x5b: {  	_ =	shalt  }
0x5c: {  	_ =	shalt  }
0x5d: {  	_ =	shalt  }
0x5e: {  	_ =	shalt  }
0x5f: {  	_ =	shalt  }
0x60: {  	_ =	shalt  }
0x61: {  	_ =	shalt  }
0x62: {  	_ =	shalt  }
0x63: {  	_ =	shalt  }
0x64: {  	_ =	shalt  }
0x65: {  	_ =	shalt  }
0x66: {  	_ =	shalt  }
0x67: {  	_ =	shalt  }
0x68: {  	_ =	shalt  }
0x69: {  	_ =	shalt  }
0x6a: {  	_ =	shalt  }
0x6b: {  	_ =	shalt  }
0x6c: {  	_ =	shalt  }
0x6d: {  	_ =	shalt  }
0x6e: {  	_ =	shalt  }
0x6f: {  	_ =	shalt  }
0x70: {  	_ =	shalt  }
0x71: {  	_ =	shalt  }
0x72: {  	_ =	shalt  }
0x73: {  	_ =	shalt  }
0x74: {  	_ =	shalt  }
0x75: {  	_ =	shalt  }
0x76: {  	_ =	shalt  }
0x77: {  	_ =	shalt  }
0x78: {  	_ =	shalt  }
0x79: {  	_ =	shalt  }
0x7a: {  	_ =	shalt  }
0x7b: {  	_ =	shalt  }
0x7c: {  	_ =	shalt  }
0x7d: {  	_ =	shalt  }
0x7e: {  	_ =	shalt  }
0x7f: {  	_ =	shalt  }
0x80: {  	_ =	shalt  }
0x81: {  	_ =	shalt  }
0x82: {  	_ =	shalt  }
0x83: {  	_ =	shalt  }
0x84: {  	_ =	shalt  }
0x85: {  	_ =	shalt  }
0x86: {  	_ =	shalt  }
0x87: {  	_ =	shalt  }
.Lfunc_end0:
.L_simem_size_0:
called_computation_lowered:
.L_overlay_start_0:
0x88: {  	s2 =	sld [smem:$0x3FD9]  }
0x89: {  	s3 =	sld [smem:$0x3FFE];
	_ =	sdelay $0x1  }
0x8a: {  	s1 =	srdreg.scid  }
0x8b: {  	s0 =	sand.u32 $0x1, s1  }
0x8c: {  	s17 =	sshll.u32 s0, $0xA;
	s2 =	sadd.s32 s3, s2  }
0x8d: {  	s2 =	sadd.s32 s2, s17  }
0x8e: {  	[smem:$0x3FC6] =	sst s2  }
0x8f: {  	_ = 	snop  }
0x90: {  	s2 =	sld [smem:$0x3FC8]  }
0x91: {  	s18 =	sld [smem:$0x3FD0];
	(tm) =	ssettm $0x1  }
0x92: {  	s4 =	sld [smem:$0x3FFB];
	_ =	sdelay $0x3  }
0x93: {  	_ =	strace s4  }
0x94: {  	s4 =	sld [smem:$0x3FFC];
	_ =	sdelay $0x3  }
0x95: {  	_ =	strace s4  }
0x96: {  	s4 =	sld [smem:$0x3FFD];
	_ =	sdelay $0x3  }
0x97: {  	_ =	strace s4  }
0x98: {  	_ =	strace $0x8FFFFFFF  }
0x99: {  	s19 =	sld [smem:$0x3FDB];
	_ =	sdelay $0x1  }
0x9a: {  	s5 =	simm.s32 $_scs_section_size  }
0x9b: {  	s6 =	simm.s32 $_size__tile_overlayer_lowered;
	s7 =	simm.s32 $_tile_overlayer_lowered  }
0x9c: {  	s22 =	simm.s32 $0x1BFF;
	s21 =	sshll.u32 s7, $0x1;
	s4 =	sadd.s32 s5, s19  }
0x9d: {  	s8 =	simm.s32 $0x0;
	s20 =	sshll.u32 s6, $0x1;
	s6 =	sadd.s32 s21, s4  }
0x9e: {  	[timem:s8], [sflag:s22] =	dma.local [hbm:s6], s20  }
0x9f: {  	_ =	swait.ge [sflag:s22], s20  }
0xa0: {  	s5 =	ssub.s32 $0x0, s20;
	[sflag:s22] =	ssyncset.done $0x0  }
0xa1: {  	[sflag:s22] =	ssyncadd.s32 s5;
	_ =	sdelay $0x1  }
0xa2: {  	s23 =	simm.s32 $0x1B8B  }
0xa3: {  	_ =	swait.ge [sflag:s23], $0x1  }
0xa4: {  	[sflag:s23] =	ssyncset.done $0x0  }
0xa5: {  	s25 =	simm.s32 $0x1B8E;
	s24 =	sld [smem:$0x3FFE];
	[sflag:s23] =	ssyncadd.s32 $0xFFFFFFFF  }
0xa6: {  	s26 =	simm.s32 $execute0_lowered;
	[smem:$0x3FD2] =	sst s25  }
0xa7: {  	s6 =	sshll.u32 s26, $0x1;
	_ =	strace $0x80000046;
	[dreg:$0x1] =	wrdreg $0xFFFFFFFF  }
0xa8: {  	s28 =	simm.s32 $_size_execute0_lowered;
	s4 =	sadd.s32 s4, s6;
	[dreg:$0x0] =	wrdreg $0x0  }
0xa9: {  	s6 =	sshll.u32 s28, $0x1;
	[dreg:$0x2] =	wrdreg s4  }
0xaa: {  	[dreg:$0x3] =	wrdreg s6  }
0xab: {  	[dreg:$0x4] =	wrdreg $0xC0  }
0xac: {  	_ =	task [dreg:s8], $0x5FFFF  }
0xad: {  	[dreg:$0x1] =	wrdreg $0xFFFFFFFF  }
0xae: {  	[dreg:$0x0] =	wrdreg $0x60  }
0xaf: {  	[dreg:$0x2] =	wrdreg s24  }
0xb0: {  	[dreg:$0x3] =	wrdreg s2  }
0xb1: {  	[dreg:$0x4] =	wrdreg s18  }
0xb2: {  	[dreg:$0x5] =	wrdreg $0x9  }
0xb3: {  	_ =	task.clear_ibuf [dreg:s8], $0x6FFFF;
	_ =	strace $0x90000046  }
0xb4: {  	s29 =	simm.s32 $0x9;
	_ =	strace $0x80000048  }
0xb5: {  	_ =	swait.ge [sflag:s29], $0x1  }
0xb6: {  	[sflag:s29] =	ssyncadd.s32 $0xFFFFFFFF  }
0xb7: {  	_ =	strace $0x90000048  }
0xb8: {  	_ =	sfence  }
0xb9: {  	s30 =	sld [smem:$0x0];
	_ =	sdelay $0x2  }
0xba: {  	s31 =	sshll.u32 s1, $0xD;
	s1 =	sshrl.u32 s1, $0x2  }
0xbb: {  	s3 =	sand.u32 $0x4000, s31;
	s1 =	sadd.s32 s1, s30  }
0xbc: {  	s0 =	sor.u32 s3, s0;
	s1 =	sshll.u32 s1, $0x11  }
0xbd: {  	s0 =	sor.u32 s1, s0  }
0xbe: {  	s0 =	sadd.s32 $0x8F2B, s0  }
0xbf: {  	[sflag:s0] =	ssyncadd.remote.s32 $0x1  }
0xc0: {  	_ =	sfence.sel $0xFFFF  }
0xc1: {  	[dreg:$0x0] =	wrdreg $0xFFFFFFFF;
	(pc) =	sbr.abs _section_cstart, $3  }
0xc2: {  	[dreg:$0x1] =	wrdreg $0xFFFFFFFF  }
0xc3: {  	_ =	task.clear_ibuf [dreg:s8], $0x2FFFF;
	_ =	strace $0x9FFFFFFF  }
0xc4: {  	(tm) =	ssettm $0x7FFFFFFF  }
0xc5: {  	_ =	shalt  }
tec
execute0_lowered:
.L_overlay_start_1:
0x0: {  	(tag) =	ssettag $0x1  }
0x1: {  	s0 =	rddreg [dreg:$0x0]  }
0x2: {  	s2 =	rddreg [dreg:$0x1]  }
0x3: {  	s1 =	srdreg.scid;
	s10 =	stileid.u32  }
0x4: {  	s4 =	rddreg [dreg:$0x2];
	s28 =	simm.s32 $0x2;
	s18 =	smul.u32 $0xC8000, s10  }
0x5: {  	s29 =	simm.s32 $0x5;
	s1 =	sand.u32 $0x1, s1;
	s21 =	smul.u32 $0x640000, s10  }
0x6: {  	s31 =	simm.s32 $0x3;
	s3 =	sshll.u32 s10, $0x1;
	s20 =	smul.u32 $0x64000, s1  }
0x7: {  	s6 =	sor.u32 s1, s3;
	s7 =	ssub.s32 $0x2, s1;
	s1 =	smul.u32 $0x320000, s1  }
0x8: {  	s30 =	simm.s32 $0x8;
	s3 =	simm.s32 $0x0;
	s5 =	smul.u32 $0xC80, s6  }
0x9: {  	[smem:$0x7FF] =	sst s3;
	s8 =	sshrl.u32 s7, $0x1;
	s9 =	smul.u32 $0x64000, s6  }
0xa: {  	s15 =	smul.u32 $0x320000, s6;
	s6 =	sadd.s32 s18, s4;
	s18 =	simm.s32 $0x9  }
0xb: {  	_ =	strace $0x80000047;
	s7 =	ssub.s32 s7, s8;
	s6 =	sadd.s32 s20, s6  }
0xc: {  	s25 =	sadd.s32 s1, s21;
	s20 =	simm.s32 $0x6400;
	s21 =	simm.s32 $0xA400  }
0xd: {  	s0 =	sadd.s32 s5, s0;
	s5 =	sadd.s32 s4, s9;
	s7 =	smax.u32 s7, $0x1  }
0xe: {  	s14 =	sadd.s32 $0x2800, s6;
	s0 =	sadd.s32 $0x400, s0;
	[dreg:$0x8] =	wrdreg s7  }
0xf: {  	s1 =	sor.u32 $0x10000, s25;
	s16 =	sadd.s32 $0x800, s5;
	[dreg:$0x4] =	wrdreg s0  }
0x10: {  	s26 =	sor.u32 $0x1C000, s25;
	s17 =	sadd.s32 $0x1000, s5;
	[dreg:$0x5] =	wrdreg s16  }
0x11: {  	s19 =	sadd.s32 $0x1800, s5;
	s23 =	sadd.s32 $0x62800, s5;
	[dreg:$0x6] =	wrdreg s17  }
0x12: {  	s1 =	sshrl.u32 s1, $0x3;
	s6 =	sshrl.u32 s26, $0x3;
	[dreg:$0x7] =	wrdreg s19  }
0x13: {  	s26 =	simm.s32 $0x12400;
	s0 =	sshrl.u32 s15, $0x3;
	[dreg:$0xa] =	wrdreg s23  }
0x14: {  	s15 =	sadd.s32 s1, s4;
	s10 =	sadd.s32 s6, s4;
	s19 =	simm.s32 $0x80  }
0x15: {  	s23 =	simm.s32 $0xE400;
	s1 =	simm.s32 $0x6;
	s0 =	sadd.s32 s4, s0  }
0x16: {  	s22 =	sadd.s32 $0x62000, s0;
	s24 =	sadd.s32 $0x63000, s0;
	s13 =	sadd.s32 $0x63800, s0  }
0x17: {  	s0 =	sor.u32 $0x18000, s25;
	s25 =	simm.s32 $0x7;
	[dreg:$0x9] =	wrdreg s22  }
0x18: {  	[dreg:$0xb] =	wrdreg s24;
	s0 =	sshrl.u32 s0, $0x3;
	s24 =	simm.s32 $0x1  }
0x19: {  	s22 =	simm.s32 $0x4;
	s17 =	sadd.s32 s0, s4;
	s0 =	simm.s32 $0x0  }
.LBB2_1:
0x1a: {  	s4 =	rddreg [dreg:$0x4]  }
0x1b: {  	[tilespmem:s3], [sflag:$0x9] =	stream.linear.gather [hbm4b:s4+s3], $0x6400, $0x38;
	[tilespmem:$0x16400] =	vst v63  }
0x1c: {  	_ =	swait.ge [sflag:s18], $0x6400  }
0x1d: {  	[sflag:s18] =	ssyncset.done $0x0  }
0x1e: {  	[sflag:s18] =	ssyncadd.s32 $0xFFFF9C00  }
0x1f: {  	[tilespmem:s20], [sflag:$0x1] =	stream.indirect.gather [hbm4b:s2+s19], $0x80, s3, s19, $0xb8;
	[tilespmem:$0x16400] =	vst v63  }
0x20: {  	_ = 	snop  }
0x21: {  	[tilespmem:s21], [sflag:$0x2] =	stream.indirect.gather [hbm4b:s2+s19], $0x80, s19, s19, $0xb8;
	[tilespmem:$0x16400] =	vst v63  }
0x22: {  	s9 =	simm.s32 $0x100  }
0x23: {  	[tilespmem:s23], [sflag:$0x3] =	stream.indirect.gather [hbm4b:s2+s19], $0x80, s9, s19, $0xb8;
	[tilespmem:$0x16400] =	vst v63  }
0x24: {  	_ =	swait.ge [sflag:s24], $0x4000  }
0x25: {  	[sflag:s24] =	ssyncset.done $0x0  }
0x26: {  	[sflag:s24] =	ssyncadd.s32 $0xFFFFC000  }
0x27: {  	[hbm4b:s5+s3] =	stream.linear.scatter [tilespmem:s20], [sflag:$0x5], $0x4000, $0x38;
	[tilespmem:$0x16400] =	vst v63  }
0x28: {  	s11 =	simm.s32 $0x180  }
0x29: {  	[tilespmem:s26], [sflag:$0x4] =	stream.indirect.gather [hbm4b:s2+s19], $0x80, s11, s19, $0xb8;
	[tilespmem:$0x16400] =	vst v63  }
0x2a: {  	_ =	swait.ge [sflag:s28], $0x4000  }
0x2b: {  	[sflag:s28] =	ssyncset.done $0x0  }
0x2c: {  	s12 =	rddreg [dreg:$0x5];
	[sflag:s28] =	ssyncadd.s32 $0xFFFFC000  }
0x2d: {  	[hbm4b:s12+s3] =	stream.linear.scatter [tilespmem:s21], [sflag:$0x6], $0x4000, $0x38;
	[tilespmem:$0x16400] =	vst v63  }
0x2e: {  	_ =	swait.ge [sflag:s29], $0x4000  }
0x2f: {  	[sflag:s29] =	ssyncset.done $0x0  }
0x30: {  	s16 =	simm.s32 $0x200;
	[sflag:s29] =	ssyncadd.s32 $0xFFFFC000  }
0x31: {  	[tilespmem:s20], [sflag:$0x1] =	stream.indirect.gather [hbm4b:s2+s19], $0x80, s16, s19, $0xb8;
	[tilespmem:$0x16400] =	vst v63  }
0x32: {  	_ =	swait.ge [sflag:s31], $0x4000  }
0x33: {  	[sflag:s31] =	ssyncset.done $0x0  }
0x34: {  	s6 =	rddreg [dreg:$0x6];
	[sflag:s31] =	ssyncadd.s32 $0xFFFFC000  }
0x35: {  	[hbm4b:s6+s3] =	stream.linear.scatter [tilespmem:s23], [sflag:$0x7], $0x4000, $0x38;
	[tilespmem:$0x16400] =	vst v63  }
0x36: {  	_ =	swait.ge [sflag:s1], $0x4000  }
0x37: {  	[sflag:s1] =	ssyncset.done $0x0  }
0x38: {  	s7 =	simm.s32 $0x280;
	[sflag:s1] =	ssyncadd.s32 $0xFFFFC000  }
0x39: {  	[tilespmem:s21], [sflag:$0x2] =	stream.indirect.gather [hbm4b:s2+s19], $0x80, s7, s19, $0xb8;
	[tilespmem:$0x16400] =	vst v63  }
0x3a: {  	_ =	swait.ge [sflag:s22], $0x4000  }
0x3b: {  	[sflag:s22] =	ssyncset.done $0x0  }
0x3c: {  	s8 =	rddreg [dreg:$0x7];
	[sflag:s22] =	ssyncadd.s32 $0xFFFFC000  }
0x3d: {  	[hbm4b:s8+s3] =	stream.linear.scatter [tilespmem:s26], [sflag:$0x8], $0x4000, $0x38;
	[tilespmem:$0x16400] =	vst v63  }
0x3e: {  	_ =	swait.ge [sflag:s25], $0x4000  }
0x3f: {  	[sflag:s25] =	ssyncset.done $0x0  }
0x40: {  	s9 =	simm.s32 $0x300;
	[sflag:s25] =	ssyncadd.s32 $0xFFFFC000  }
0x41: {  	[tilespmem:s23], [sflag:$0x3] =	stream.indirect.gather [hbm4b:s2+s19], $0x80, s9, s19, $0xb8;
	[tilespmem:$0x16400] =	vst v63  }
0x42: {  	_ =	swait.ge [sflag:s24], $0x4000  }
0x43: {  	[sflag:s24] =	ssyncset.done $0x0  }
0x44: {  	[sflag:s24] =	ssyncadd.s32 $0xFFFFC000  }
0x45: {  	[hbm4b:s15+s3] =	stream.linear.scatter [tilespmem:s20], [sflag:$0x5], $0x4000, $0x38;
	[tilespmem:$0x16400] =	vst v63  }
0x46: {  	_ =	swait.ge [sflag:s30], $0x4000  }
0x47: {  	[sflag:s30] =	ssyncset.done $0x0  }
0x48: {  	s11 =	simm.s32 $0x380;
	[sflag:s30] =	ssyncadd.s32 $0xFFFFC000  }
0x49: {  	[tilespmem:s26], [sflag:$0x4] =	stream.indirect.gather [hbm4b:s2+s19], $0x80, s11, s19, $0xb8;
	[tilespmem:$0x16400] =	vst v63  }
0x4a: {  	_ =	swait.ge [sflag:s28], $0x4000  }
0x4b: {  	[sflag:s28] =	ssyncset.done $0x0  }
0x4c: {  	[sflag:s28] =	ssyncadd.s32 $0xFFFFC000  }
0x4d: {  	[hbm4b:s14+s3] =	stream.linear.scatter [tilespmem:s21], [sflag:$0x6], $0x4000, $0x38;
	[tilespmem:$0x16400] =	vst v63  }
0x4e: {  	_ =	swait.ge [sflag:s29], $0x4000  }
0x4f: {  	[sflag:s29] =	ssyncset.done $0x0  }
0x50: {  	s12 =	simm.s32 $0x400;
	[sflag:s29] =	ssyncadd.s32 $0xFFFFC000  }
0x51: {  	[tilespmem:s20], [sflag:$0x1] =	stream.indirect.gather [hbm4b:s2+s19], $0x80, s12, s19, $0xb8;
	[tilespmem:$0x16400] =	vst v63  }
0x52: {  	_ =	swait.ge [sflag:s31], $0x4000  }
0x53: {  	[sflag:s31] =	ssyncset.done $0x0  }
0x54: {  	[sflag:s31] =	ssyncadd.s32 $0xFFFFC000  }
0x55: {  	[hbm4b:s17+s3] =	stream.linear.scatter [tilespmem:s23], [sflag:$0x7], $0x4000, $0x38;
	[tilespmem:$0x16400] =	vst v63  }
0x56: {  	_ =	swait.ge [sflag:s1], $0x4000  }
0x57: {  	[sflag:s1] =	ssyncset.done $0x0  }
0x58: {  	s16 =	simm.s32 $0x480;
	[sflag:s1] =	ssyncadd.s32 $0xFFFFC000  }
0x59: {  	[tilespmem:s21], [sflag:$0x2] =	stream.indirect.gather [hbm4b:s2+s19], $0x80, s16, s19, $0xb8;
	[tilespmem:$0x16400] =	vst v63  }
0x5a: {  	s4 =	simm.s32 $0x800;
	s6 =	sadd.s32 $0x2000, s10;
	_ =	swait.ge [sflag:s22], $0x4000  }
0x5b: {  	s7 =	sadd.s32 $0x2000, s17;
	s8 =	sadd.s32 $0x2000, s14;
	[sflag:s22] =	ssyncset.done $0x0  }
0x5c: {  	s9 =	sadd.s32 $0x2000, s15;
	s16 =	smov.u32 s10;
	[sflag:s22] =	ssyncadd.s32 $0xFFFFC000  }
.LBB2_2:
0x5d: {  	[hbm4b:s16+s3] =	stream.linear.scatter [tilespmem:s26], [sflag:$0x8], $0x4000, $0x38;
	[tilespmem:$0x16400] =	vst v63  }
0x5e: {  	s11 =	smov.u32 s4;
	s16 =	smov.u32 s6  }
0x5f: {  	p0 =	sne.s32 s4, $0x17800;
	s4 =	sadd.s32 $0x800, s4;
	_ =	swait.ge [sflag:s25], $0x4000  }
0x60: {  	s11 =	sshra.s32 s11, $0x2;
	[sflag:s25] =	ssyncset.done $0x0  }
0x61: {  	s12 =	sadd.s32 $0x300, s11;
	[sflag:s25] =	ssyncadd.s32 $0xFFFFC000  }
0x62: {  	[tilespmem:s23], [sflag:$0x3] =	stream.indirect.gather [hbm4b:s2+s19], $0x80, s12, s19, $0xb8;
	[tilespmem:$0x16400] =	vst v63  }
0x63: {  	_ =	swait.ge [sflag:s24], $0x4000  }
0x64: {  	[sflag:s24] =	ssyncset.done $0x0  }
0x65: {  	[sflag:s24] =	ssyncadd.s32 $0xFFFFC000  }
0x66: {  	[hbm4b:s9+s3] =	stream.linear.scatter [tilespmem:s20], [sflag:$0x5], $0x4000, $0x38;
	[tilespmem:$0x16400] =	vst v63  }
0x67: {  	_ =	swait.ge [sflag:s30], $0x4000  }
0x68: {  	[sflag:s30] =	ssyncset.done $0x0  }
0x69: {  	s12 =	sadd.s32 $0x380, s11;
	[sflag:s30] =	ssyncadd.s32 $0xFFFFC000  }
0x6a: {  	[tilespmem:s26], [sflag:$0x4] =	stream.indirect.gather [hbm4b:s2+s19], $0x80, s12, s19, $0xb8;
	[tilespmem:$0x16400] =	vst v63  }
0x6b: {  	_ =	swait.ge [sflag:s28], $0x4000  }
0x6c: {  	[sflag:s28] =	ssyncset.done $0x0  }
0x6d: {  	[sflag:s28] =	ssyncadd.s32 $0xFFFFC000  }
0x6e: {  	[hbm4b:s8+s3] =	stream.linear.scatter [tilespmem:s21], [sflag:$0x6], $0x4000, $0x38;
	[tilespmem:$0x16400] =	vst v63  }
0x6f: {  	_ =	swait.ge [sflag:s29], $0x4000  }
0x70: {  	[sflag:s29] =	ssyncset.done $0x0  }
0x71: {  	s12 =	sadd.s32 $0x400, s11;
	[sflag:s29] =	ssyncadd.s32 $0xFFFFC000  }
0x72: {  	[tilespmem:s20], [sflag:$0x1] =	stream.indirect.gather [hbm4b:s2+s19], $0x80, s12, s19, $0xb8;
	[tilespmem:$0x16400] =	vst v63  }
0x73: {  	_ =	swait.ge [sflag:s31], $0x4000  }
0x74: {  	[sflag:s31] =	ssyncset.done $0x0  }
0x75: {  	[sflag:s31] =	ssyncadd.s32 $0xFFFFC000  }
0x76: {  	[hbm4b:s7+s3] =	stream.linear.scatter [tilespmem:s23], [sflag:$0x7], $0x4000, $0x38;
	[tilespmem:$0x16400] =	vst v63  }
0x77: {  	_ =	swait.ge [sflag:s1], $0x4000  }
0x78: {  	[sflag:s1] =	ssyncset.done $0x0  }
.Ltmp0:
0x79: {  	s11 =	sadd.s32 $0x480, s11;
	[sflag:s1] =	ssyncadd.s32 $0xFFFFC000;
	(pc) =	sbr.rel @p0 .LBB2_2-.Ltmp0, $4  }
0x7a: {  	[tilespmem:s21], [sflag:$0x2] =	stream.indirect.gather [hbm4b:s2+s19], $0x80, s11, s19, $0xb8;
	[tilespmem:$0x16400] =	vst v63  }
0x7b: {  	_ =	swait.ge [sflag:s22], $0x4000  }
0x7c: {  	s6 =	sadd.s32 $0x2000, s6;
	s7 =	sadd.s32 $0x2000, s7;
	[sflag:s22] =	ssyncset.done $0x0  }
0x7d: {  	s9 =	sadd.s32 $0x2000, s9;
	s8 =	sadd.s32 $0x2000, s8;
	[sflag:s22] =	ssyncadd.s32 $0xFFFFC000  }
0x7e: {  	[hbm4b:s16+s3] =	stream.linear.scatter [tilespmem:s26], [sflag:$0x8], $0x4000, $0x38;
	[tilespmem:$0x16400] =	vst v63  }
0x7f: {  	_ =	swait.ge [sflag:s25], $0x4000  }
0x80: {  	[sflag:s25] =	ssyncset.done $0x0  }
0x81: {  	s4 =	simm.s32 $0x6300;
	[sflag:s25] =	ssyncadd.s32 $0xFFFFC000  }
0x82: {  	[tilespmem:s23], [sflag:$0x3] =	stream.indirect.gather [hbm4b:s2+s19], $0x80, s4, s19, $0xb8;
	[tilespmem:$0x16400] =	vst v63  }
0x83: {  	_ =	swait.ge [sflag:s24], $0x4000  }
0x84: {  	[sflag:s24] =	ssyncset.done $0x0  }
0x85: {  	s8 =	rddreg [dreg:$0x9];
	[sflag:s24] =	ssyncadd.s32 $0xFFFFC000  }
0x86: {  	[hbm4b:s8+s3] =	stream.linear.scatter [tilespmem:s20], [sflag:$0x5], $0x4000, $0x38;
	[tilespmem:$0x16400] =	vst v63  }
0x87: {  	_ =	swait.ge [sflag:s30], $0x4000  }
0x88: {  	[sflag:s30] =	ssyncset.done $0x0  }
0x89: {  	s9 =	simm.s32 $0x6380;
	[sflag:s30] =	ssyncadd.s32 $0xFFFFC000  }
0x8a: {  	[tilespmem:s26], [sflag:$0x4] =	stream.indirect.gather [hbm4b:s2+s19], $0x80, s9, s19, $0xb8;
	[tilespmem:$0x16400] =	vst v63  }
0x8b: {  	_ =	swait.ge [sflag:s28], $0x4000  }
0x8c: {  	[sflag:s28] =	ssyncset.done $0x0  }
0x8d: {  	s11 =	rddreg [dreg:$0xa];
	[sflag:s28] =	ssyncadd.s32 $0xFFFFC000  }
0x8e: {  	[hbm4b:s11+s3] =	stream.linear.scatter [tilespmem:s21], [sflag:$0x6], $0x4000, $0x38;
	[tilespmem:$0x16400] =	vst v63  }
0x8f: {  	_ =	swait.ge [sflag:s29], $0x4000  }
0x90: {  	[sflag:s29] =	ssyncset.done $0x0  }
0x91: {  	[sflag:s29] =	ssyncadd.s32 $0xFFFFC000  }
0x92: {  	[tilespmem:s20], [sflag:$0x1] =	stream.indirect.gather [hbm4b:s2+s19], $0x80, s3, s19, $0xb8;
	[tilespmem:$0x16400] =	vst v63  }
0x93: {  	_ =	swait.ge [sflag:s31], $0x4000  }
0x94: {  	[sflag:s31] =	ssyncset.done $0x0  }
0x95: {  	s12 =	rddreg [dreg:$0xb];
	[sflag:s31] =	ssyncadd.s32 $0xFFFFC000  }
0x96: {  	[hbm4b:s12+s3] =	stream.linear.scatter [tilespmem:s23], [sflag:$0x7], $0x4000, $0x38;
	[tilespmem:$0x16400] =	vst v63  }
0x97: {  	_ =	swait.ge [sflag:s1], $0x4000  }
0x98: {  	[sflag:s1] =	ssyncset.done $0x0  }
0x99: {  	[sflag:s1] =	ssyncadd.s32 $0xFFFFC000  }
0x9a: {  	[tilespmem:s21], [sflag:$0x2] =	stream.indirect.gather [hbm4b:s2+s19], $0x80, s19, s19, $0xb8;
	[tilespmem:$0x16400] =	vst v63  }
0x9b: {  	_ =	swait.ge [sflag:s22], $0x4000  }
0x9c: {  	[sflag:s22] =	ssyncset.done $0x0  }
0x9d: {  	[sflag:s22] =	ssyncadd.s32 $0xFFFFC000  }
0x9e: {  	[hbm4b:s13+s3] =	stream.linear.scatter [tilespmem:s26], [sflag:$0x8], $0x4000, $0x38;
	[tilespmem:$0x16400] =	vst v63  }
0x9f: {  	_ =	swait.ge [sflag:s25], $0x4000  }
0xa0: {  	[sflag:s25] =	ssyncset.done $0x0  }
0xa1: {  	[sflag:s25] =	ssyncadd.s32 $0xFFFFC000  }
0xa2: {  	_ =	swait.ge [sflag:s24], $0x4000  }
0xa3: {  	[sflag:s24] =	ssyncset.done $0x0  }
0xa4: {  	[sflag:s24] =	ssyncadd.s32 $0xFFFFC000  }
0xa5: {  	_ =	swait.ge [sflag:s30], $0x4000  }
0xa6: {  	[sflag:s30] =	ssyncset.done $0x0  }
0xa7: {  	[sflag:s30] =	ssyncadd.s32 $0xFFFFC000  }
0xa8: {  	_ =	swait.ge [sflag:s28], $0x4000  }
0xa9: {  	s0 =	sadd.s32 $0x1, s0;
	s16 =	rddreg [dreg:$0x8]  }
0xaa: {  	p0 =	sne.s32 s0, s16  }
.Ltmp1:
0xab: {  	_ = 	snop;
	(pc) =	sbr.rel @p0 .LBB2_1-.Ltmp1, $3  }
0xac: {  	_ =	sdelay $0x1  }
0xad: {  	[sflag:s28] =	ssyncset.done $0x0  }
0xae: {  	[sflag:s28] =	ssyncadd.s32 $0xFFFFC000  }
0xaf: {  	_ =	sfence.sel $0x180000  }
0xb0: {  	[bflag:$0x0] =	sbarrier.arrive $0xFFFF  }
0xb1: {  	_ =	strace $0x90000047  }
0xb2: {  	s0 =	stileid.u32;
	[bflag:$0x2] =	sbarrier.arrive $0xFFFF  }
0xb3: {  	p0 =	sne.s32 s0, $0x0;
	s0 =	rddreg [dreg:$0x3]  }
0xb4: {  	s0 =	sadd.s32 @!p0 $0x100000, s0  }
0xb5: {  	[sflag:s0] =	ssyncadd.tile.s32 @!p0 $0x1;
	_ =	shalt  }
.Lfunc_end2:
_tile_overlayer_lowered:
.L_overlay_start_2:
0xb6: {  	(tag) =	ssettag $0x2  }
0xb7: {  	s0 =	rddreg [dreg:$0x0];
	s2 =	stileid.u32  }
0xb8: {  	s1 =	rddreg [dreg:$0x1];
	p0 =	sne.s32 s2, $0x0  }
0xb9: {  	s3 =	rddreg [dreg:$0x2];
	[bflag:$0x3] =	sbarrier.arrive $0xFFFF;
	s2 =	simm.s32 @!p0 $0x1C09  }
0xba: {  	[timem:s3], [sflag:s2] =	dma.local @!p0 [hbm:s0], s1  }
0xbb: {  	s0 =	simm.s32 @!p0 $0x9  }
0xbc: {  	_ =	swait.ge @!p0 [sflag:s0], s1  }
0xbd: {  	s1 =	ssub.s32 @!p0 $0x0, s1;
	[sflag:s0] =	ssyncset.done @!p0 $0x0  }
0xbe: {  	[sflag:s0] =	ssyncadd.s32 @!p0 s1  }
0xbf: {  	[bflag:$0x3] =	sbarrier.arrive $0xFFFF  }
0xc0: {  	_ =	shalt  }

</sc_bundles>
